<compile_context>
chip_gen: v7x
topology: tpu7x:2x2x1
jax: 0.10.2.dev20260603
libtpu: 0.0.44.dev20260713+nightly
codegen_flags: <defaults>
</compile_context>

<pallas_src>
import dataclasses
import functools
import math

import jax
import jax.numpy as jnp
from jax import lax
from jax.experimental import pallas as pl
from jax.experimental.pallas import tpu as pltpu
from jax.experimental.pallas import tpu_sc as plsc

N = 4096
C = 256
TDIM = 512
E = 131072
K = 2048

_PREC = jax.lax.Precision.DEFAULT

E_AUG = E + K
EPT = E_AUG // 16
NB = EPT // 128
CH = 256
NCH = K // CH
ZW = 4096
GB = 16


def _build_kernel(src_hbm, dst_hbm, w_hbm, rank_hbm, perm_hbm, x_hbm,
                  p_hbm, qt_hbm, xg_hbm,
                  a_v, c_v, w_v, rank_v, idx3, r3, upd3, zeros_v,
                  permv, rows_v, shared, sem):
    cid = lax.axis_index("c")
    sid = lax.axis_index("s")
    base = sid * EPT

    wid = sid * 2 + cid
    pltpu.sync_copy(perm_hbm.at[pl.ds(wid * (K // 32), K // 32)], permv)

    @pl.loop(0, (K // 32) // GB)
    def _(g):
        pltpu.async_copy(x_hbm.at[permv.at[pl.ds(g * GB, GB)]], rows_v,
                         sem).wait()
        pltpu.sync_copy(rows_v, xg_hbm.at[pl.ds(wid * (K // 32) + g * GB, GB)])

    @pl.when(cid == 0)
    def _():
        pltpu.sync_copy(src_hbm.at[pl.ds(base, EPT)], a_v)
        pltpu.sync_copy(dst_hbm.at[pl.ds(base, EPT)], c_v)

    @pl.when(cid != 0)
    def _():
        pltpu.sync_copy(dst_hbm.at[pl.ds(base, EPT)], a_v)
        pltpu.sync_copy(src_hbm.at[pl.ds(base, EPT)], c_v)

    pltpu.sync_copy(w_hbm.at[pl.ds(base, EPT)], w_v)
    pltpu.sync_copy(rank_hbm, rank_v)

    @pl.loop(0, ZW // 16)
    def _(q):
        zeros_v[pl.ds(q * 16, 16)] = jnp.zeros((16,), jnp.float32)

    @pl.loop(0, NB)
    def _(j):
        @pl.loop(0, 8)
        def _(t):
            a16 = a_v[pl.ds(j * 128 + t * 16, 16)]
            c16 = c_v[pl.ds(j * 128 + t * 16, 16)]
            r16 = plsc.load_gather(rank_v, [a16])
            idx3[j, pl.ds(t * 16, 16)] = (r16 & (CH - 1)) * N + c16
            r3[j, pl.ds(t * 16, 16)] = r16

    part = CH * N // 16

    @pl.loop(0, NCH)
    def _(k):
        @pl.loop(0, part // ZW)
        def _(q):
            pltpu.async_copy(zeros_v, shared.at[pl.ds(sid * part + q * ZW, ZW)],
                             sem)

        @pl.loop(0, part // ZW)
        def _(q):
            pltpu.make_async_copy(
                zeros_v, shared.at[pl.ds(sid * part + q * ZW, ZW)], sem).wait()
        plsc.subcore_barrier()
        lo = k * CH

        @pl.loop(0, NB)
        def _(j):
            @pl.loop(0, 8)
            def _(t):
                r16 = r3[j, pl.ds(t * 16, 16)]
                w16 = w_v[pl.ds(j * 128 + t * 16, 16)]
                m = jnp.logical_and(r16 >= lo, r16 < lo + CH)
                upd3[j, pl.ds(t * 16, 16)] = jnp.where(m, w16, 0.0)

        @pl.loop(0, NB)
        def _(j):
            pltpu.async_copy(upd3.at[j], shared.at[idx3.at[j]], sem, add=True)

        @pl.loop(0, NB)
        def _(j):
            pltpu.make_async_copy(upd3.at[j], shared.at[idx3.at[j]], sem).wait()

        plsc.subcore_barrier()

        rows_per_tile = CH // 16

        @pl.when(cid == 0)
        def _():
            @pl.loop(0, rows_per_tile)
            def _(r):
                rl = sid * rows_per_tile + r
                pltpu.async_copy(shared.at[pl.ds(rl * N, N)],
                                 p_hbm.at[k * CH + rl], sem)

            @pl.loop(0, rows_per_tile)
            def _(r):
                rl = sid * rows_per_tile + r
                pltpu.make_async_copy(shared.at[pl.ds(rl * N, N)],
                                      p_hbm.at[k * CH + rl], sem).wait()

        @pl.when(cid != 0)
        def _():
            @pl.loop(0, rows_per_tile)
            def _(r):
                rl = sid * rows_per_tile + r
                pltpu.async_copy(shared.at[pl.ds(rl * N, N)],
                                 qt_hbm.at[k * CH + rl], sem)

            @pl.loop(0, rows_per_tile)
            def _(r):
                rl = sid * rows_per_tile + r
                pltpu.make_async_copy(shared.at[pl.ds(rl * N, N)],
                                      qt_hbm.at[k * CH + rl], sem).wait()


def _build_pq(src_aug, dst_aug, w_aug, rank_flat, perm, x):
    mesh = plsc.VectorSubcoreMesh(core_axis_name="c", subcore_axis_name="s")
    cp = pltpu.CompilerParams()
    if "needs_layout_passes" in pltpu.CompilerParams.__dataclass_fields__:
        cp = dataclasses.replace(cp, needs_layout_passes=False)
    f = pl.kernel(
        _build_kernel,
        compiler_params=cp,
        out_type=[jax.ShapeDtypeStruct((K, N), jnp.float32),
                  jax.ShapeDtypeStruct((K, N), jnp.float32),
                  jax.ShapeDtypeStruct((K, C), jnp.float32)],
        mesh=mesh,
        scratch_types=[
            pltpu.VMEM((EPT,), jnp.int32),
            pltpu.VMEM((EPT,), jnp.int32),
            pltpu.VMEM((EPT,), jnp.float32),
            pltpu.VMEM((N,), jnp.int32),
            pltpu.VMEM((NB, 128), jnp.int32),
            pltpu.VMEM((NB, 128), jnp.int32),
            pltpu.VMEM((NB, 128), jnp.float32),
            pltpu.VMEM((ZW,), jnp.float32),
            pltpu.VMEM((K // 32,), jnp.int32),
            pltpu.VMEM((GB, C), jnp.float32),
            pltpu.VMEM_SHARED((CH * N,), jnp.float32),
            pltpu.SemaphoreType.DMA,
        ])
    return f(src_aug, dst_aug, w_aug, rank_flat, perm, x)


def _rank_kernel(scol_ref, srow_ref, rank_ref):
    i = pl.program_id(0)
    bm = scol_ref.shape[0]
    sc = scol_ref[...]
    sr = srow_ref[...]
    gt = (sr > sc).astype(jnp.int32)
    jrow = jax.lax.broadcasted_iota(jnp.int32, (bm, N), 1)
    gidx = i * bm + jax.lax.broadcasted_iota(jnp.int32, (bm, N), 0)
    tie = jnp.logical_and(sr == sc, jrow < gidx).astype(jnp.int32)
    rank_ref[...] = jnp.sum(gt + tie, axis=1, keepdims=True)


def _perm_kernel(rrow_ref, srow_ref, perm_ref, sp_ref):
    i = pl.program_id(0)
    bm = perm_ref.shape[0]
    rr = rrow_ref[...]
    sr = srow_ref[...]
    p = i * bm + jax.lax.broadcasted_iota(jnp.int32, (bm, N), 0)
    hit = (rr == p)
    jrow = jax.lax.broadcasted_iota(jnp.int32, (bm, N), 1)
    perm_ref[...] = jnp.sum(jnp.where(hit, jrow, 0), axis=1, keepdims=True)
    sp_ref[...] = jnp.sum(jnp.where(hit, sr, 0.0), axis=1, keepdims=True)


def _ap_kernel(p_ref, qt_ref, ap_ref, apb_ref, colsum_ref, *, bm, bn):
    j = pl.program_id(0)
    i = pl.program_id(1)
    acc = jax.lax.dot_general(
        p_ref[...].astype(jnp.bfloat16), qt_ref[...], (((1,), (1,)), ((), ())),
        preferred_element_type=jnp.float32,
        precision=_PREC)
    gi = i * bm + jax.lax.broadcasted_iota(jnp.int32, (bm, bn), 0)
    gj = j * bn + jax.lax.broadcasted_iota(jnp.int32, (bm, bn), 1)
    acc = jnp.where(gi == gj, 0.0, acc)
    ap_ref[...] = acc
    apb_ref[...] = acc.astype(jnp.bfloat16)
    part = jnp.sum(acc, axis=0, keepdims=True)[None]

    @pl.when(i == 0)
    def _init():
        colsum_ref[...] = part

    @pl.when(i != 0)
    def _acc():
        colsum_ref[...] += part


def kernel(x, edge_index, edge_weight, t, W1, b1, W2, b2,
           ln1_g, ln1_b, ln2_g, ln2_b, pool_w, time_W, time_b):
    src, dst = edge_index[0], edge_index[1]

    score = (x * pool_w).sum(-1) / jnp.linalg.norm(pool_w)
    score = jnp.tanh(score)

    srow = score.reshape(1, N)
    scol = score.reshape(N, 1)

    bm = 512
    rank = pl.pallas_call(
        _rank_kernel,
        grid=(N // bm,),
        in_specs=[pl.BlockSpec((bm, 1), lambda i: (i, 0)),
                  pl.BlockSpec((1, N), lambda i: (0, 0))],
        out_specs=pl.BlockSpec((bm, 1), lambda i: (i, 0)),
        out_shape=jax.ShapeDtypeStruct((N, 1), jnp.int32),
    )(scol, srow)

    rrow = rank.reshape(1, N)
    perm_full, sp_full = pl.pallas_call(
        _perm_kernel,
        grid=(N // bm,),
        in_specs=[pl.BlockSpec((1, N), lambda i: (0, 0)),
                  pl.BlockSpec((1, N), lambda i: (0, 0))],
        out_specs=[pl.BlockSpec((bm, 1), lambda i: (i, 0)),
                   pl.BlockSpec((bm, 1), lambda i: (i, 0))],
        out_shape=[jax.ShapeDtypeStruct((N, 1), jnp.int32),
                   jax.ShapeDtypeStruct((N, 1), jnp.float32)],
    )(rrow, srow)
    perm = perm_full[:K, 0]
    sp = sp_full[:K]

    rk = rank[:, 0]
    w0 = jnp.where(src == dst, 0.0, edge_weight)
    src_aug = jnp.concatenate([src, perm])
    dst_aug = jnp.concatenate([dst, perm])
    w_aug = jnp.concatenate([w0, jnp.ones((K,), jnp.float32)])
    P, QT, xg = _build_pq(src_aug, dst_aug, w_aug, rk, perm, x)

    bm3, bn3 = 256, 1024
    QTb = QT.astype(jnp.bfloat16)
    ap, apb, colsum = pl.pallas_call(
        functools.partial(_ap_kernel, bm=bm3, bn=bn3),
        grid=(K // bn3, K // bm3),
        in_specs=[pl.BlockSpec((bm3, N), lambda j, i: (i, 0)),
                  pl.BlockSpec((bn3, N), lambda j, i: (j, 0))],
        out_specs=[pl.BlockSpec((bm3, bn3), lambda j, i: (i, j)),
                   pl.BlockSpec((bm3, bn3), lambda j, i: (i, j)),
                   pl.BlockSpec((1, 1, bn3), lambda j, i: (j, 0, 0))],
        out_shape=[jax.ShapeDtypeStruct((K, K), jnp.float32),
                   jax.ShapeDtypeStruct((K, K), jnp.bfloat16),
                   jax.ShapeDtypeStruct((K // bn3, 1, bn3), jnp.float32)],
        compiler_params=pltpu.CompilerParams(
            dimension_semantics=("parallel", "arbitrary")),
    )(P, QTb)
    colsum = colsum.reshape(K, 1)

    bm4 = 512
    t_row = t.reshape(1, TDIM)
    tb_row = time_b.reshape(1, C)

    def gcn_layer(xin, spv, W, b, lng, lnb, with_time):
        body = functools.partial(_gcn2_kernel, bm=bm4, with_time=with_time,
                                 with_sp=spv is not None)
        ins = [apb, colsum, xin]
        specs = [pl.BlockSpec((K, bm4), lambda i: (0, i)),
                 pl.BlockSpec((K, 1), lambda i: (0, 0)),
                 pl.BlockSpec((K, C), lambda i: (0, 0))]
        if spv is not None:
            ins.append(spv)
            specs.append(pl.BlockSpec((K, 1), lambda i: (0, 0)))
        ins += [colsum, xin]
        specs += [pl.BlockSpec((bm4, 1), lambda i: (i, 0)),
                  pl.BlockSpec((bm4, C), lambda i: (i, 0))]
        if spv is not None:
            ins.append(spv)
            specs.append(pl.BlockSpec((bm4, 1), lambda i: (i, 0)))
        ins += [W, b.reshape(1, C), lng.reshape(1, C), lnb.reshape(1, C)]
        specs += [pl.BlockSpec((C, C), lambda i: (0, 0)),
                  pl.BlockSpec((1, C), lambda i: (0, 0)),
                  pl.BlockSpec((1, C), lambda i: (0, 0)),
                  pl.BlockSpec((1, C), lambda i: (0, 0))]
        if with_time:
            ins += [time_W, t_row, tb_row]
            specs += [pl.BlockSpec((C, TDIM), lambda i: (0, 0)),
                      pl.BlockSpec((1, TDIM), lambda i: (0, 0)),
                      pl.BlockSpec((1, C), lambda i: (0, 0))]
        return pl.pallas_call(
            body,
            grid=(K // bm4,),
            in_specs=specs,
            out_specs=pl.BlockSpec((bm4, C), lambda i: (i, 0)),
            out_shape=jax.ShapeDtypeStruct((K, C), jnp.float32),
            compiler_params=pltpu.CompilerParams(
                dimension_semantics=("parallel",)),
            )(*ins)

    h1 = gcn_layer(xg, sp, W1, b1, ln1_g, ln1_b, True)
    h = gcn_layer(h1, None, W2, b2, ln2_g, ln2_b, False)
    return h, ap, perm


def _gcn2_kernel(*refs, bm, with_time, with_sp):
    if with_time:
        *refs, tw_ref, t_ref, tb_ref, out_ref = refs
        refs = refs + [out_ref]
    if with_sp:
        (ap_ref, colsum_ref, xin_ref, sp_ref, cs_blk_ref, xin_blk_ref,
         sp_blk_ref, w_ref, b_ref, lng_ref, lnb_ref, out_ref) = refs
    else:
        (ap_ref, colsum_ref, xin_ref, cs_blk_ref, xin_blk_ref,
         w_ref, b_ref, lng_ref, lnb_ref, out_ref) = refs
        sp_ref = sp_blk_ref = None
    dinv = jax.lax.rsqrt(colsum_ref[...] + 2.0)
    xin = xin_ref[...]
    xin_blk = xin_blk_ref[...]
    if sp_ref is not None:
        xin = xin * sp_ref[...]
        xin_blk = xin_blk * sp_blk_ref[...]
    z = jax.lax.dot_general(
        xin * dinv, w_ref[...], (((1,), (1,)), ((), ())),
        preferred_element_type=jnp.float32,
        precision=_PREC)
    y = jax.lax.dot_general(
        ap_ref[...], z.astype(jnp.bfloat16), (((0,), (0,)), ((), ())),
        preferred_element_type=jnp.float32,
        precision=_PREC)
    dblk = jax.lax.rsqrt(cs_blk_ref[...] + 2.0)
    zblk = jax.lax.dot_general(
        xin_blk * dblk, w_ref[...], (((1,), (1,)), ((), ())),
        preferred_element_type=jnp.float32,
        precision=_PREC)
    g = dblk * (y + 2.0 * zblk) + b_ref[...]
    g = jnp.maximum(g, 0.0)
    mu = jnp.mean(g, axis=1, keepdims=True)
    var = jnp.mean((g - mu) ** 2, axis=1, keepdims=True)
    h = (g - mu) * jax.lax.rsqrt(var + 1e-5) * lng_ref[...] + lnb_ref[...]
    if with_time:
        tv = jax.lax.dot_general(
            t_ref[...], tw_ref[...], (((1,), (1,)), ((), ())),
            preferred_element_type=jnp.float32,
            precision=_PREC)
        h = h + jnp.maximum(tv + tb_ref[...], 0.0)
    out_ref[...] = h

# --- scband reference (transcript-rebuilt; emitter-appended) ---
"""Pipeline reference for scband-down-block-472446403331 (READ-ONLY COPY).

The authoritative reference and input builder live on the scoring server;
editing this copy changes nothing except your own understanding.
"""

import jax, jax.numpy as jnp
import numpy as np
import math

N = 4096
C = 256
TDIM = 512
RATIO = 0.5
E = 131072
K = int(math.ceil(RATIO * N))


def setup_inputs(seed: int = 0):
    key = jax.random.key(seed)
    ks = jax.random.split(key, 14)
    inp = {}
    inp["x"] = jax.random.normal(ks[0], (N, C), dtype=jnp.float32)
    inp["edge_index"] = jax.random.randint(ks[1], (2, E), 0, N, dtype=jnp.int32)
    inp["edge_weight"] = jax.random.uniform(ks[2], (E,), dtype=jnp.float32)
    inp["t"] = jax.random.normal(ks[3], (TDIM,), dtype=jnp.float32)
    s = 1.0 / math.sqrt(C)
    inp["W1"] = jax.random.uniform(ks[4], (C, C), minval=-s, maxval=s, dtype=jnp.float32)
    inp["b1"] = jnp.zeros((C,), dtype=jnp.float32)
    inp["W2"] = jax.random.uniform(ks[5], (C, C), minval=-s, maxval=s, dtype=jnp.float32)
    inp["b2"] = jnp.zeros((C,), dtype=jnp.float32)
    inp["ln1_g"] = jnp.ones((C,), dtype=jnp.float32)
    inp["ln1_b"] = jnp.zeros((C,), dtype=jnp.float32)
    inp["ln2_g"] = jnp.ones((C,), dtype=jnp.float32)
    inp["ln2_b"] = jnp.zeros((C,), dtype=jnp.float32)
    inp["pool_w"] = jax.random.uniform(ks[6], (C,), minval=-s, maxval=s, dtype=jnp.float32)
    st = 1.0 / math.sqrt(TDIM)
    inp["time_W"] = jax.random.uniform(ks[7], (C, TDIM), minval=-st, maxval=st, dtype=jnp.float32)
    inp["time_b"] = jax.random.uniform(ks[8], (C,), minval=-st, maxval=st, dtype=jnp.float32)
    return inp


def _layernorm(x, g, b, eps=1e-5):
    mu = x.mean(-1, keepdims=True)
    var = ((x - mu) ** 2).mean(-1, keepdims=True)
    return (x - mu) / jnp.sqrt(var + eps) * g + b


def _gcn(A, x, W, b):
    # GCNConv(improved=True): add self loops with weight 2, symmetric normalization
    n = A.shape[0]
    Ah = A + 2.0 * jnp.eye(n, dtype=A.dtype)
    deg = Ah.sum(axis=0)
    dinv = jnp.where(deg > 0, jax.lax.rsqrt(deg), 0.0)
    An = dinv[:, None] * Ah * dinv[None, :]
    # out[dst] = sum_src norm(src,dst) * x[src]  ->  An.T @ x_lin
    return An.T @ (x @ W.T) + b


def reference(x, edge_index, edge_weight, t, W1, b1, W2, b2, ln1_g, ln1_b, ln2_g, ln2_b, pool_w, time_W, time_b):
    src, dst = edge_index[0], edge_index[1]
    # augment_adj: remove self loops, add self loops (w=1), A @ A, remove self loops
    w = jnp.where(src == dst, 0.0, edge_weight)
    A = jnp.zeros((N, N), dtype=jnp.float32).at[src, dst].add(w)
    A = A + jnp.eye(N, dtype=jnp.float32)
    A2 = A @ A
    A2 = A2 * (1.0 - jnp.eye(N, dtype=jnp.float32))
    # TopKPooling: score = tanh((x . w) / ||w||), keep top ceil(ratio*N) nodes
    score = (x * pool_w).sum(-1) / jnp.linalg.norm(pool_w)
    score = jnp.tanh(score)
    _, perm = jax.lax.top_k(score, K)
    xp = x[perm] * score[perm][:, None]
    Ap = A2[perm][:, perm]
    h = _layernorm(jax.nn.relu(_gcn(Ap, xp, W1, b1)), ln1_g, ln1_b)
    h = h + jax.nn.relu(time_W @ t + time_b)
    h = _layernorm(jax.nn.relu(_gcn(Ap, h, W2, b2)), ln2_g, ln2_b)
    return h, Ap, perm

if __name__ == "__main__":
    import jax
    _d = setup_inputs()
    print(jax.jit(kernel)(*tuple(_d.values())))

</pallas_src>

<mosaic_0001>
#map = affine_map<(d0, d1) -> (0)>
#map1 = affine_map<(d0, d1) -> (0, 0)>
module attributes {stable_mosaic.version = 14 : i64} {
  func.func @_build_kernel(%arg0: i32, %arg1: i32, %arg2: memref<133120xi32, #tpu.memory_space<hbm>>, %arg3: memref<133120xi32, #tpu.memory_space<hbm>>, %arg4: memref<133120xf32, #tpu.memory_space<hbm>>, %arg5: memref<4096xi32, #tpu.memory_space<hbm>>, %arg6: memref<2048xi32, #tpu.memory_space<hbm>>, %arg7: memref<4096x256xf32, #tpu.memory_space<hbm>>, %arg8: memref<2048x4096xf32, #tpu.memory_space<hbm>>, %arg9: memref<2048x4096xf32, #tpu.memory_space<hbm>>, %arg10: memref<2048x256xf32, #tpu.memory_space<hbm>>, %arg11: memref<8320xi32, #tpu.memory_space<vmem>>, %arg12: memref<8320xi32, #tpu.memory_space<vmem>>, %arg13: memref<8320xf32, #tpu.memory_space<vmem>>, %arg14: memref<4096xi32, #tpu.memory_space<vmem>>, %arg15: memref<65x128xi32, #tpu.memory_space<vmem>>, %arg16: memref<65x128xi32, #tpu.memory_space<vmem>>, %arg17: memref<65x128xf32, #tpu.memory_space<vmem>>, %arg18: memref<4096xf32, #tpu.memory_space<vmem>>, %arg19: memref<64xi32, #tpu.memory_space<vmem>>, %arg20: memref<16x256xf32, #tpu.memory_space<vmem>>, %arg21: memref<1048576xf32, #tpu.memory_space<vmem_shared>>, %arg22: memref<!tpu.dma_semaphore, #tpu.memory_space<semaphore_mem>>) attributes {dimension_semantics = [#tpu.dimension_semantics<core_parallel>, #tpu.dimension_semantics<subcore_parallel>], iteration_bounds = array<i64: 2, 16>, scalar_prefetch = 0 : i64, scratch_operands = 12 : i64, tpu.core_type = #tpu.core_type<sc_vector_subcore>, window_params = [{transform_indices = #map}, {transform_indices = #map}, {transform_indices = #map}, {transform_indices = #map}, {transform_indices = #map}, {transform_indices = #map1}, {transform_indices = #map1}, {transform_indices = #map1}, {transform_indices = #map1}]} {
    %mul3A = arith.constant 8320 : i32
    %mul3A_0 = arith.muli %arg1, %mul3A : i32
    %mul3A_1 = arith.constant 2 : i32
    %mul3A_2 = arith.muli %arg1, %mul3A_1 : i32
    %add3A = arith.addi %mul3A_2, %arg0 : i32
    %mul3A_3 = arith.constant 64 : i32
    %mul3A_4 = arith.muli %add3A, %mul3A_3 : i32
    "tpu.region"() ({
      %run_scoped3A = tpu.sem_alloc : memref<!tpu.dma_semaphore, #tpu.memory_space<semaphore_mem>>
      %dma_start3A = tpu.memref_slice %arg6[%mul3A_4] : memref<2048xi32, #tpu.memory_space<hbm>> -> memref<64xi32, #tpu.memory_space<hbm>>
      %dma_start3A_30 = tpu.memref_slice %arg6[%mul3A_4] : memref<2048xi32, #tpu.memory_space<hbm>> -> memref<64xi32, #tpu.memory_space<hbm>>
      tpu.enqueue_dma source(%dma_start3A_30 : memref<64xi32, #tpu.memory_space<hbm>>) target(%arg19 : memref<64xi32, #tpu.memory_space<vmem>>) target_semaphore(%run_scoped3A : memref<!tpu.dma_semaphore, #tpu.memory_space<semaphore_mem>>)
      %dma_wait3A = tpu.memref_slice %arg6[%mul3A_4] : memref<2048xi32, #tpu.memory_space<hbm>> -> memref<64xi32, #tpu.memory_space<hbm>>
      %dma_wait3A_31 = tpu.memref_slice %arg6[%mul3A_4] : memref<2048xi32, #tpu.memory_space<hbm>> -> memref<64xi32, #tpu.memory_space<hbm>>
      tpu.wait_dma2 semaphore(%run_scoped3A : memref<!tpu.dma_semaphore, #tpu.memory_space<semaphore_mem>>) src(%dma_wait3A_31 : memref<64xi32, #tpu.memory_space<hbm>>) dst(%arg19 : memref<64xi32, #tpu.memory_space<vmem>>)
      tpu.yield
    }) : () -> ()
    %scan3A = arith.constant 0 : i32
    %scan3A_5 = arith.constant 4 : i32
    %scan3A_6 = arith.addi %scan3A, %scan3A_5 : i32
    %scan3A_7 = arith.constant 1 : i32
    scf.for %scan3A_30 = %scan3A to %scan3A_6 step %scan3A_7  : i32 {
      %mul3A_31 = arith.constant 1 : i32
      %mul3A_32 = arith.muli %scan3A_30, %mul3A_31 : i32
      %add3A_33 = arith.constant 0 : i32
      %add3A_34 = arith.addi %add3A_33, %mul3A_32 : i32
      %mul3A_35 = arith.constant 16 : i32
      %mul3A_36 = arith.muli %add3A_34, %mul3A_35 : i32
      %dma_start3A = tpu.memref_slice %arg19[%mul3A_36] : memref<64xi32, #tpu.memory_space<vmem>> -> memref<16xi32, #tpu.memory_space<vmem>>
      %dma_start3A_37 = arith.constant 0 : i32
      %dma_start3A_38 = arith.constant 0 : i32
      %dma_start3A_39 = tpu.memref_slice %arg7[%dma_start3A_37, %dma_start3A_38] : memref<4096x256xf32, #tpu.memory_space<hbm>> -> memref<4096x256xf32, #tpu.memory_space<hbm>>
      tpu.enqueue_indirect_dma source(%dma_start3A_39 : memref<4096x256xf32, #tpu.memory_space<hbm>>) target(%arg20 : memref<16x256xf32, #tpu.memory_space<vmem>>) offsets(%dma_start3A : memref<16xi32, #tpu.memory_space<vmem>>) semaphore(%arg22 : memref<!tpu.dma_semaphore, #tpu.memory_space<semaphore_mem>>)
      %dma_wait3A = tpu.memref_slice %arg19[%mul3A_36] : memref<64xi32, #tpu.memory_space<vmem>> -> memref<16xi32, #tpu.memory_space<vmem>>
      %dma_wait3A_40 = arith.constant 0 : i32
      %dma_wait3A_41 = arith.constant 0 : i32
      %dma_wait3A_42 = tpu.memref_slice %arg7[%dma_wait3A_40, %dma_wait3A_41] : memref<4096x256xf32, #tpu.memory_space<hbm>> -> memref<4096x256xf32, #tpu.memory_space<hbm>>
      tpu.wait_indirect_dma semaphore(%arg22 : memref<!tpu.dma_semaphore, #tpu.memory_space<semaphore_mem>>) src(%dma_wait3A_42 : memref<4096x256xf32, #tpu.memory_space<hbm>>) dst(%arg20 : memref<16x256xf32, #tpu.memory_space<vmem>>)
      %mul3A_43 = arith.constant 64 : i32
      %mul3A_44 = arith.muli %add3A, %mul3A_43 : i32
      %mul3A_45 = arith.constant 16 : i32
      %mul3A_46 = arith.muli %add3A_34, %mul3A_45 : i32
      %add3A_47 = arith.addi %mul3A_44, %mul3A_46 : i32
      "tpu.region"() ({
        %run_scoped3A = tpu.sem_alloc : memref<!tpu.dma_semaphore, #tpu.memory_space<semaphore_mem>>
        %dma_start3A_48 = arith.constant 0 : i32
        %dma_start3A_49 = tpu.memref_slice %arg10[%add3A_47, %dma_start3A_48] : memref<2048x256xf32, #tpu.memory_space<hbm>> -> memref<16x256xf32, #tpu.memory_space<hbm>>
        %dma_start3A_50 = arith.constant 0 : i32
        %dma_start3A_51 = tpu.memref_slice %arg10[%add3A_47, %dma_start3A_50] : memref<2048x256xf32, #tpu.memory_space<hbm>> -> memref<16x256xf32, #tpu.memory_space<hbm>>
        tpu.enqueue_dma source(%arg20 : memref<16x256xf32, #tpu.memory_space<vmem>>) target(%dma_start3A_51 : memref<16x256xf32, #tpu.memory_space<hbm>>) target_semaphore(%run_scoped3A : memref<!tpu.dma_semaphore, #tpu.memory_space<semaphore_mem>>)
        %dma_wait3A_52 = arith.constant 0 : i32
        %dma_wait3A_53 = tpu.memref_slice %arg10[%add3A_47, %dma_wait3A_52] : memref<2048x256xf32, #tpu.memory_space<hbm>> -> memref<16x256xf32, #tpu.memory_space<hbm>>
        %dma_wait3A_54 = arith.constant 0 : i32
        %dma_wait3A_55 = tpu.memref_slice %arg10[%add3A_47, %dma_wait3A_54] : memref<2048x256xf32, #tpu.memory_space<hbm>> -> memref<16x256xf32, #tpu.memory_space<hbm>>
        tpu.wait_dma2 semaphore(%run_scoped3A : memref<!tpu.dma_semaphore, #tpu.memory_space<semaphore_mem>>) src(%arg20 : memref<16x256xf32, #tpu.memory_space<vmem>>) dst(%dma_wait3A_55 : memref<16x256xf32, #tpu.memory_space<hbm>>)
        tpu.yield
      }) : () -> ()
    }
    %scan3A_8 = arith.constant 4 : i32
    %eq3A = arith.constant 0 : i32
    %eq3A_9 = arith.cmpi eq, %arg0, %eq3A : i32
    %convert_element_type3A = arith.extui %eq3A_9 : i1 to i32
    %cond3A = arith.constant 0 : i32
    %cond3A_10 = arith.cmpi ne, %convert_element_type3A, %cond3A : i32
    scf.if %cond3A_10 {
      "tpu.region"() ({
        %run_scoped3A = tpu.sem_alloc : memref<!tpu.dma_semaphore, #tpu.memory_space<semaphore_mem>>
        %dma_start3A = tpu.memref_slice %arg2[%mul3A_0] : memref<133120xi32, #tpu.memory_space<hbm>> -> memref<8320xi32, #tpu.memory_space<hbm>>
        %dma_start3A_30 = tpu.memref_slice %arg2[%mul3A_0] : memref<133120xi32, #tpu.memory_space<hbm>> -> memref<8320xi32, #tpu.memory_space<hbm>>
        tpu.enqueue_dma source(%dma_start3A_30 : memref<8320xi32, #tpu.memory_space<hbm>>) target(%arg11 : memref<8320xi32, #tpu.memory_space<vmem>>) target_semaphore(%run_scoped3A : memref<!tpu.dma_semaphore, #tpu.memory_space<semaphore_mem>>)
        %dma_wait3A = tpu.memref_slice %arg2[%mul3A_0] : memref<133120xi32, #tpu.memory_space<hbm>> -> memref<8320xi32, #tpu.memory_space<hbm>>
        %dma_wait3A_31 = tpu.memref_slice %arg2[%mul3A_0] : memref<133120xi32, #tpu.memory_space<hbm>> -> memref<8320xi32, #tpu.memory_space<hbm>>
        tpu.wait_dma2 semaphore(%run_scoped3A : memref<!tpu.dma_semaphore, #tpu.memory_space<semaphore_mem>>) src(%dma_wait3A_31 : memref<8320xi32, #tpu.memory_space<hbm>>) dst(%arg11 : memref<8320xi32, #tpu.memory_space<vmem>>)
        tpu.yield
      }) : () -> ()
      "tpu.region"() ({
        %run_scoped3A = tpu.sem_alloc : memref<!tpu.dma_semaphore, #tpu.memory_space<semaphore_mem>>
        %dma_start3A = tpu.memref_slice %arg3[%mul3A_0] : memref<133120xi32, #tpu.memory_space<hbm>> -> memref<8320xi32, #tpu.memory_space<hbm>>
        %dma_start3A_30 = tpu.memref_slice %arg3[%mul3A_0] : memref<133120xi32, #tpu.memory_space<hbm>> -> memref<8320xi32, #tpu.memory_space<hbm>>
        tpu.enqueue_dma source(%dma_start3A_30 : memref<8320xi32, #tpu.memory_space<hbm>>) target(%arg12 : memref<8320xi32, #tpu.memory_space<vmem>>) target_semaphore(%run_scoped3A : memref<!tpu.dma_semaphore, #tpu.memory_space<semaphore_mem>>)
        %dma_wait3A = tpu.memref_slice %arg3[%mul3A_0] : memref<133120xi32, #tpu.memory_space<hbm>> -> memref<8320xi32, #tpu.memory_space<hbm>>
        %dma_wait3A_31 = tpu.memref_slice %arg3[%mul3A_0] : memref<133120xi32, #tpu.memory_space<hbm>> -> memref<8320xi32, #tpu.memory_space<hbm>>
        tpu.wait_dma2 semaphore(%run_scoped3A : memref<!tpu.dma_semaphore, #tpu.memory_space<semaphore_mem>>) src(%dma_wait3A_31 : memref<8320xi32, #tpu.memory_space<hbm>>) dst(%arg12 : memref<8320xi32, #tpu.memory_space<vmem>>)
        tpu.yield
      }) : () -> ()
    } else {
    }
    %ne3A = arith.constant 0 : i32
    %ne3A_11 = arith.cmpi ne, %arg0, %ne3A : i32
    %convert_element_type3A_12 = arith.extui %ne3A_11 : i1 to i32
    %cond3A_13 = arith.constant 0 : i32
    %cond3A_14 = arith.cmpi ne, %convert_element_type3A_12, %cond3A_13 : i32
    scf.if %cond3A_14 {
      "tpu.region"() ({
        %run_scoped3A = tpu.sem_alloc : memref<!tpu.dma_semaphore, #tpu.memory_space<semaphore_mem>>
        %dma_start3A = tpu.memref_slice %arg3[%mul3A_0] : memref<133120xi32, #tpu.memory_space<hbm>> -> memref<8320xi32, #tpu.memory_space<hbm>>
        %dma_start3A_30 = tpu.memref_slice %arg3[%mul3A_0] : memref<133120xi32, #tpu.memory_space<hbm>> -> memref<8320xi32, #tpu.memory_space<hbm>>
        tpu.enqueue_dma source(%dma_start3A_30 : memref<8320xi32, #tpu.memory_space<hbm>>) target(%arg11 : memref<8320xi32, #tpu.memory_space<vmem>>) target_semaphore(%run_scoped3A : memref<!tpu.dma_semaphore, #tpu.memory_space<semaphore_mem>>)
        %dma_wait3A = tpu.memref_slice %arg3[%mul3A_0] : memref<133120xi32, #tpu.memory_space<hbm>> -> memref<8320xi32, #tpu.memory_space<hbm>>
        %dma_wait3A_31 = tpu.memref_slice %arg3[%mul3A_0] : memref<133120xi32, #tpu.memory_space<hbm>> -> memref<8320xi32, #tpu.memory_space<hbm>>
        tpu.wait_dma2 semaphore(%run_scoped3A : memref<!tpu.dma_semaphore, #tpu.memory_space<semaphore_mem>>) src(%dma_wait3A_31 : memref<8320xi32, #tpu.memory_space<hbm>>) dst(%arg11 : memref<8320xi32, #tpu.memory_space<vmem>>)
        tpu.yield
      }) : () -> ()
      "tpu.region"() ({
        %run_scoped3A = tpu.sem_alloc : memref<!tpu.dma_semaphore, #tpu.memory_space<semaphore_mem>>
        %dma_start3A = tpu.memref_slice %arg2[%mul3A_0] : memref<133120xi32, #tpu.memory_space<hbm>> -> memref<8320xi32, #tpu.memory_space<hbm>>
        %dma_start3A_30 = tpu.memref_slice %arg2[%mul3A_0] : memref<133120xi32, #tpu.memory_space<hbm>> -> memref<8320xi32, #tpu.memory_space<hbm>>
        tpu.enqueue_dma source(%dma_start3A_30 : memref<8320xi32, #tpu.memory_space<hbm>>) target(%arg12 : memref<8320xi32, #tpu.memory_space<vmem>>) target_semaphore(%run_scoped3A : memref<!tpu.dma_semaphore, #tpu.memory_space<semaphore_mem>>)
        %dma_wait3A = tpu.memref_slice %arg2[%mul3A_0] : memref<133120xi32, #tpu.memory_space<hbm>> -> memref<8320xi32, #tpu.memory_space<hbm>>
        %dma_wait3A_31 = tpu.memref_slice %arg2[%mul3A_0] : memref<133120xi32, #tpu.memory_space<hbm>> -> memref<8320xi32, #tpu.memory_space<hbm>>
        tpu.wait_dma2 semaphore(%run_scoped3A : memref<!tpu.dma_semaphore, #tpu.memory_space<semaphore_mem>>) src(%dma_wait3A_31 : memref<8320xi32, #tpu.memory_space<hbm>>) dst(%arg12 : memref<8320xi32, #tpu.memory_space<vmem>>)
        tpu.yield
      }) : () -> ()
    } else {
    }
    "tpu.region"() ({
      %run_scoped3A = tpu.sem_alloc : memref<!tpu.dma_semaphore, #tpu.memory_space<semaphore_mem>>
      %dma_start3A = tpu.memref_slice %arg4[%mul3A_0] : memref<133120xf32, #tpu.memory_space<hbm>> -> memref<8320xf32, #tpu.memory_space<hbm>>
      %dma_start3A_30 = tpu.memref_slice %arg4[%mul3A_0] : memref<133120xf32, #tpu.memory_space<hbm>> -> memref<8320xf32, #tpu.memory_space<hbm>>
      tpu.enqueue_dma source(%dma_start3A_30 : memref<8320xf32, #tpu.memory_space<hbm>>) target(%arg13 : memref<8320xf32, #tpu.memory_space<vmem>>) target_semaphore(%run_scoped3A : memref<!tpu.dma_semaphore, #tpu.memory_space<semaphore_mem>>)
      %dma_wait3A = tpu.memref_slice %arg4[%mul3A_0] : memref<133120xf32, #tpu.memory_space<hbm>> -> memref<8320xf32, #tpu.memory_space<hbm>>
      %dma_wait3A_31 = tpu.memref_slice %arg4[%mul3A_0] : memref<133120xf32, #tpu.memory_space<hbm>> -> memref<8320xf32, #tpu.memory_space<hbm>>
      tpu.wait_dma2 semaphore(%run_scoped3A : memref<!tpu.dma_semaphore, #tpu.memory_space<semaphore_mem>>) src(%dma_wait3A_31 : memref<8320xf32, #tpu.memory_space<hbm>>) dst(%arg13 : memref<8320xf32, #tpu.memory_space<vmem>>)
      tpu.yield
    }) : () -> ()
    "tpu.region"() ({
      %run_scoped3A = tpu.sem_alloc : memref<!tpu.dma_semaphore, #tpu.memory_space<semaphore_mem>>
      tpu.enqueue_dma source(%arg5 : memref<4096xi32, #tpu.memory_space<hbm>>) target(%arg14 : memref<4096xi32, #tpu.memory_space<vmem>>) target_semaphore(%run_scoped3A : memref<!tpu.dma_semaphore, #tpu.memory_space<semaphore_mem>>)
      tpu.wait_dma2 semaphore(%run_scoped3A : memref<!tpu.dma_semaphore, #tpu.memory_space<semaphore_mem>>) src(%arg5 : memref<4096xi32, #tpu.memory_space<hbm>>) dst(%arg14 : memref<4096xi32, #tpu.memory_space<vmem>>)
      tpu.yield
    }) : () -> ()
    %scan3A_15 = arith.constant 0 : i32
    %scan3A_16 = arith.constant 256 : i32
    %scan3A_17 = arith.addi %scan3A_15, %scan3A_16 : i32
    %scan3A_18 = arith.constant 1 : i32
    scf.for %scan3A_30 = %scan3A_15 to %scan3A_17 step %scan3A_18  : i32 {
      %mul3A_31 = arith.constant 1 : i32
      %mul3A_32 = arith.muli %scan3A_30, %mul3A_31 : i32
      %add3A_33 = arith.constant 0 : i32
      %add3A_34 = arith.addi %add3A_33, %mul3A_32 : i32
      %broadcast_in_dim3A = arith.constant 0.000000e+00 : f32
      %broadcast_in_dim3A_35 = vector.broadcast %broadcast_in_dim3A : f32 to vector<16xf32>
      %mul3A_36 = arith.constant 16 : i32
      %mul3A_37 = arith.muli %add3A_34, %mul3A_36 : i32
      %swap3A = arith.index_cast %mul3A_37 : i32 to index
      %swap3A_38 = tpu.vector_load %arg18[%swap3A] {strides = array<i32>} : memref<4096xf32, #tpu.memory_space<vmem>>, vector<16xf32>,
      tpu.vector_store %arg18[%swap3A], %broadcast_in_dim3A_35 {strides = array<i32>} : memref<4096xf32, #tpu.memory_space<vmem>>, vector<16xf32>,
    }
    %scan3A_19 = arith.constant 256 : i32
    %scan3A_20 = arith.constant 0 : i32
    %scan3A_21 = arith.constant 65 : i32
    %scan3A_22 = arith.addi %scan3A_20, %scan3A_21 : i32
    %scan3A_23 = arith.constant 1 : i32
    scf.for %scan3A_30 = %scan3A_20 to %scan3A_22 step %scan3A_23  : i32 {
      %mul3A_31 = arith.constant 1 : i32
      %mul3A_32 = arith.muli %scan3A_30, %mul3A_31 : i32
      %add3A_33 = arith.constant 0 : i32
      %add3A_34 = arith.addi %add3A_33, %mul3A_32 : i32
      %scan3A_35 = arith.constant 0 : i32
      %scan3A_36 = arith.constant 8 : i32
      %scan3A_37 = arith.addi %scan3A_35, %scan3A_36 : i32
      %scan3A_38 = arith.constant 1 : i32
      scf.for %scan3A_40 = %scan3A_35 to %scan3A_37 step %scan3A_38  : i32 {
        %mul3A_41 = arith.constant 1 : i32
        %mul3A_42 = arith.muli %scan3A_40, %mul3A_41 : i32
        %add3A_43 = arith.constant 0 : i32
        %add3A_44 = arith.addi %add3A_43, %mul3A_42 : i32
        %mul3A_45 = arith.constant 128 : i32
        %mul3A_46 = arith.muli %add3A_34, %mul3A_45 : i32
        %mul3A_47 = arith.constant 16 : i32
        %mul3A_48 = arith.muli %add3A_44, %mul3A_47 : i32
        %add3A_49 = arith.addi %mul3A_46, %mul3A_48 : i32
        %get3A = arith.index_cast %add3A_49 : i32 to index
        %get3A_50 = tpu.vector_load %arg11[%get3A] {strides = array<i32>} : memref<8320xi32, #tpu.memory_space<vmem>>, vector<16xi32>,
        %mul3A_51 = arith.constant 128 : i32
        %mul3A_52 = arith.muli %add3A_34, %mul3A_51 : i32
        %mul3A_53 = arith.constant 16 : i32
        %mul3A_54 = arith.muli %add3A_44, %mul3A_53 : i32
        %add3A_55 = arith.addi %mul3A_52, %mul3A_54 : i32
        %get3A_56 = arith.index_cast %add3A_55 : i32 to index
        %get3A_57 = tpu.vector_load %arg12[%get3A_56] {strides = array<i32>} : memref<8320xi32, #tpu.memory_space<vmem>>, vector<16xi32>,
        %gather3A = tpu.vector_load_idx %arg14[%get3A_50] : memref<4096xi32, #tpu.memory_space<vmem>>[vector<16xi32>], vector<16xi32>,
        %and3A = arith.constant 255 : i32
        %and3A_58 = vector.broadcast %and3A : i32 to vector<16xi32>
        %and3A_59 = arith.andi %gather3A, %and3A_58 : vector<16xi32>
        %mul3A_60 = arith.constant 4096 : i32
        %mul3A_61 = vector.broadcast %mul3A_60 : i32 to vector<16xi32>
        %mul3A_62 = arith.muli %and3A_59, %mul3A_61 : vector<16xi32>
        %add3A_63 = arith.addi %mul3A_62, %get3A_57 : vector<16xi32>
        %mul3A_64 = arith.constant 16 : i32
        %mul3A_65 = arith.muli %add3A_44, %mul3A_64 : i32
        %swap3A = arith.index_cast %add3A_34 : i32 to index
        %swap3A_66 = arith.index_cast %mul3A_65 : i32 to index
        %swap3A_67 = tpu.vector_load %arg15[%swap3A, %swap3A_66] {strides = array<i32>} : memref<65x128xi32, #tpu.memory_space<vmem>>, vector<16xi32>,
        tpu.vector_store %arg15[%swap3A, %swap3A_66], %add3A_63 {strides = array<i32>} : memref<65x128xi32, #tpu.memory_space<vmem>>, vector<16xi32>,
        %mul3A_68 = arith.constant 16 : i32
        %mul3A_69 = arith.muli %add3A_44, %mul3A_68 : i32
        %swap3A_70 = arith.index_cast %add3A_34 : i32 to index
        %swap3A_71 = arith.index_cast %mul3A_69 : i32 to index
        %swap3A_72 = tpu.vector_load %arg16[%swap3A_70, %swap3A_71] {strides = array<i32>} : memref<65x128xi32, #tpu.memory_space<vmem>>, vector<16xi32>,
        tpu.vector_store %arg16[%swap3A_70, %swap3A_71], %gather3A {strides = array<i32>} : memref<65x128xi32, #tpu.memory_space<vmem>>, vector<16xi32>,
      }
      %scan3A_39 = arith.constant 8 : i32
    }
    %scan3A_24 = arith.constant 65 : i32
    %scan3A_25 = arith.constant 0 : i32
    %scan3A_26 = arith.constant 8 : i32
    %scan3A_27 = arith.addi %scan3A_25, %scan3A_26 : i32
    %scan3A_28 = arith.constant 1 : i32
    scf.for %scan3A_30 = %scan3A_25 to %scan3A_27 step %scan3A_28  : i32 {
      %mul3A_31 = arith.constant 1 : i32
      %mul3A_32 = arith.muli %scan3A_30, %mul3A_31 : i32
      %add3A_33 = arith.constant 0 : i32
      %add3A_34 = arith.addi %add3A_33, %mul3A_32 : i32
      %scan3A_35 = arith.constant 0 : i32
      %scan3A_36 = arith.constant 16 : i32
      %scan3A_37 = arith.addi %scan3A_35, %scan3A_36 : i32
      %scan3A_38 = arith.constant 1 : i32
      scf.for %scan3A_73 = %scan3A_35 to %scan3A_37 step %scan3A_38  : i32 {
        %mul3A_74 = arith.constant 1 : i32
        %mul3A_75 = arith.muli %scan3A_73, %mul3A_74 : i32
        %add3A_76 = arith.constant 0 : i32
        %add3A_77 = arith.addi %add3A_76, %mul3A_75 : i32
        %mul3A_78 = arith.constant 65536 : i32
        %mul3A_79 = arith.muli %arg1, %mul3A_78 : i32
        %mul3A_80 = arith.constant 4096 : i32
        %mul3A_81 = arith.muli %add3A_77, %mul3A_80 : i32
        %add3A_82 = arith.addi %mul3A_79, %mul3A_81 : i32
        %dma_start3A = tpu.memref_slice %arg21[%add3A_82] : memref<1048576xf32, #tpu.memory_space<vmem_shared>> -> memref<4096xf32, #tpu.memory_space<vmem_shared>>
        %dma_start3A_83 = tpu.memref_slice %arg21[%add3A_82] : memref<1048576xf32, #tpu.memory_space<vmem_shared>> -> memref<4096xf32, #tpu.memory_space<vmem_shared>>
        tpu.enqueue_dma source(%arg18 : memref<4096xf32, #tpu.memory_space<vmem>>) target(%dma_start3A_83 : memref<4096xf32, #tpu.memory_space<vmem_shared>>) target_semaphore(%arg22 : memref<!tpu.dma_semaphore, #tpu.memory_space<semaphore_mem>>)
      }
      %scan3A_39 = arith.constant 16 : i32
      %scan3A_40 = arith.constant 0 : i32
      %scan3A_41 = arith.constant 16 : i32
      %scan3A_42 = arith.addi %scan3A_40, %scan3A_41 : i32
      %scan3A_43 = arith.constant 1 : i32
      scf.for %scan3A_73 = %scan3A_40 to %scan3A_42 step %scan3A_43  : i32 {
        %mul3A_74 = arith.constant 1 : i32
        %mul3A_75 = arith.muli %scan3A_73, %mul3A_74 : i32
        %add3A_76 = arith.constant 0 : i32
        %add3A_77 = arith.addi %add3A_76, %mul3A_75 : i32
        %mul3A_78 = arith.constant 65536 : i32
        %mul3A_79 = arith.muli %arg1, %mul3A_78 : i32
        %mul3A_80 = arith.constant 4096 : i32
        %mul3A_81 = arith.muli %add3A_77, %mul3A_80 : i32
        %add3A_82 = arith.addi %mul3A_79, %mul3A_81 : i32
        %dma_wait3A = tpu.memref_slice %arg21[%add3A_82] : memref<1048576xf32, #tpu.memory_space<vmem_shared>> -> memref<4096xf32, #tpu.memory_space<vmem_shared>>
        %dma_wait3A_83 = tpu.memref_slice %arg21[%add3A_82] : memref<1048576xf32, #tpu.memory_space<vmem_shared>> -> memref<4096xf32, #tpu.memory_space<vmem_shared>>
        tpu.wait_dma2 semaphore(%arg22 : memref<!tpu.dma_semaphore, #tpu.memory_space<semaphore_mem>>) src(%arg18 : memref<4096xf32, #tpu.memory_space<vmem>>) dst(%dma_wait3A_83 : memref<4096xf32, #tpu.memory_space<vmem_shared>>)
      }
      %scan3A_44 = arith.constant 16 : i32
      %barrier3A = arith.constant 0 : index
      tpu.barrier barrier_id(%barrier3A)
      %mul3A_45 = arith.constant 256 : i32
      %mul3A_46 = arith.muli %add3A_34, %mul3A_45 : i32
      %scan3A_47 = arith.constant 0 : i32
      %scan3A_48 = arith.constant 65 : i32
      %scan3A_49 = arith.addi %scan3A_47, %scan3A_48 : i32
      %scan3A_50 = arith.constant 1 : i32
      scf.for %scan3A_73 = %scan3A_47 to %scan3A_49 step %scan3A_50  : i32 {
        %mul3A_74 = arith.constant 1 : i32
        %mul3A_75 = arith.muli %scan3A_73, %mul3A_74 : i32
        %add3A_76 = arith.constant 0 : i32
        %add3A_77 = arith.addi %add3A_76, %mul3A_75 : i32
        %scan3A_78 = arith.constant 0 : i32
        %scan3A_79 = arith.constant 8 : i32
        %scan3A_80 = arith.addi %scan3A_78, %scan3A_79 : i32
        %scan3A_81 = arith.constant 1 : i32
        scf.for %scan3A_83 = %scan3A_78 to %scan3A_80 step %scan3A_81  : i32 {
          %mul3A_84 = arith.constant 1 : i32
          %mul3A_85 = arith.muli %scan3A_83, %mul3A_84 : i32
          %add3A_86 = arith.constant 0 : i32
          %add3A_87 = arith.addi %add3A_86, %mul3A_85 : i32
          %mul3A_88 = arith.constant 16 : i32
          %mul3A_89 = arith.muli %add3A_87, %mul3A_88 : i32
          %get3A = arith.index_cast %add3A_77 : i32 to index
          %get3A_90 = arith.index_cast %mul3A_89 : i32 to index
          %get3A_91 = tpu.vector_load %arg16[%get3A, %get3A_90] {strides = array<i32>} : memref<65x128xi32, #tpu.memory_space<vmem>>, vector<16xi32>,
          %mul3A_92 = arith.constant 128 : i32
          %mul3A_93 = arith.muli %add3A_77, %mul3A_92 : i32
          %mul3A_94 = arith.constant 16 : i32
          %mul3A_95 = arith.muli %add3A_87, %mul3A_94 : i32
          %add3A_96 = arith.addi %mul3A_93, %mul3A_95 : i32
          %get3A_97 = arith.index_cast %add3A_96 : i32 to index
          %get3A_98 = tpu.vector_load %arg13[%get3A_97] {strides = array<i32>} : memref<8320xf32, #tpu.memory_space<vmem>>, vector<16xf32>,
          %ge3A = vector.broadcast %mul3A_46 : i32 to vector<16xi32>
          %ge3A_99 = arith.cmpi sge, %get3A_91, %ge3A : vector<16xi32>
          %add3A_100 = arith.constant 256 : i32
          %add3A_101 = arith.addi %mul3A_46, %add3A_100 : i32
          %lt3A = vector.broadcast %add3A_101 : i32 to vector<16xi32>
          %lt3A_102 = arith.cmpi slt, %get3A_91, %lt3A : vector<16xi32>
          %and3A = arith.andi %ge3A_99, %lt3A_102 : vector<16xi1>
          %jit3A = arith.constant 0.000000e+00 : f32
          %broadcast_in_dim3A = vector.broadcast %jit3A : f32 to vector<16xf32>
          %select_n3A = arith.select %and3A, %get3A_98, %broadcast_in_dim3A : vector<16xi1>, vector<16xf32>
          %mul3A_103 = arith.constant 16 : i32
          %mul3A_104 = arith.muli %add3A_87, %mul3A_103 : i32
          %swap3A = arith.index_cast %add3A_77 : i32 to index
          %swap3A_105 = arith.index_cast %mul3A_104 : i32 to index
          %swap3A_106 = tpu.vector_load %arg17[%swap3A, %swap3A_105] {strides = array<i32>} : memref<65x128xf32, #tpu.memory_space<vmem>>, vector<16xf32>,
          tpu.vector_store %arg17[%swap3A, %swap3A_105], %select_n3A {strides = array<i32>} : memref<65x128xf32, #tpu.memory_space<vmem>>, vector<16xf32>,
        }
        %scan3A_82 = arith.constant 8 : i32
      }
      %scan3A_51 = arith.constant 65 : i32
      %scan3A_52 = arith.constant 0 : i32
      %scan3A_53 = arith.constant 65 : i32
      %scan3A_54 = arith.addi %scan3A_52, %scan3A_53 : i32
      %scan3A_55 = arith.constant 1 : i32
      scf.for %scan3A_73 = %scan3A_52 to %scan3A_54 step %scan3A_55  : i32 {
        %mul3A_74 = arith.constant 1 : i32
        %mul3A_75 = arith.muli %scan3A_73, %mul3A_74 : i32
        %add3A_76 = arith.constant 0 : i32
        %add3A_77 = arith.addi %add3A_76, %mul3A_75 : i32
        %dma_start3A = arith.constant 0 : i32
        %dma_start3A_78 = tpu.memref_slice %arg17[%add3A_77, %dma_start3A] : memref<65x128xf32, #tpu.memory_space<vmem>> -> memref<1x128xf32, #tpu.memory_space<vmem>>
        %dma_start3A_79 = tpu.memref_squeeze %dma_start3A_78 : memref<1x128xf32, #tpu.memory_space<vmem>> -> memref<128xf32, #tpu.memory_space<vmem>>
        %dma_start3A_80 = arith.constant 0 : i32
        %dma_start3A_81 = tpu.memref_slice %arg15[%add3A_77, %dma_start3A_80] : memref<65x128xi32, #tpu.memory_space<vmem>> -> memref<1x128xi32, #tpu.memory_space<vmem>>
        %dma_start3A_82 = tpu.memref_squeeze %dma_start3A_81 : memref<1x128xi32, #tpu.memory_space<vmem>> -> memref<128xi32, #tpu.memory_space<vmem>>
        %dma_start3A_83 = arith.constant 0 : i32
        %dma_start3A_84 = tpu.memref_slice %arg21[%dma_start3A_83] : memref<1048576xf32, #tpu.memory_space<vmem_shared>> -> memref<1048576xf32, #tpu.memory_space<vmem_shared>>
        tpu.enqueue_indirect_dma source(%dma_start3A_79 : memref<128xf32, #tpu.memory_space<vmem>>) target(%dma_start3A_84 : memref<1048576xf32, #tpu.memory_space<vmem_shared>>) offsets(%dma_start3A_82 : memref<128xi32, #tpu.memory_space<vmem>>) semaphore(%arg22 : memref<!tpu.dma_semaphore, #tpu.memory_space<semaphore_mem>>) {add = true}
      }
      %scan3A_56 = arith.constant 65 : i32
      %scan3A_57 = arith.constant 0 : i32
      %scan3A_58 = arith.constant 65 : i32
      %scan3A_59 = arith.addi %scan3A_57, %scan3A_58 : i32
      %scan3A_60 = arith.constant 1 : i32
      scf.for %scan3A_73 = %scan3A_57 to %scan3A_59 step %scan3A_60  : i32 {
        %mul3A_74 = arith.constant 1 : i32
        %mul3A_75 = arith.muli %scan3A_73, %mul3A_74 : i32
        %add3A_76 = arith.constant 0 : i32
        %add3A_77 = arith.addi %add3A_76, %mul3A_75 : i32
        %dma_wait3A = arith.constant 0 : i32
        %dma_wait3A_78 = tpu.memref_slice %arg17[%add3A_77, %dma_wait3A] : memref<65x128xf32, #tpu.memory_space<vmem>> -> memref<1x128xf32, #tpu.memory_space<vmem>>
        %dma_wait3A_79 = tpu.memref_squeeze %dma_wait3A_78 : memref<1x128xf32, #tpu.memory_space<vmem>> -> memref<128xf32, #tpu.memory_space<vmem>>
        %dma_wait3A_80 = arith.constant 0 : i32
        %dma_wait3A_81 = tpu.memref_slice %arg15[%add3A_77, %dma_wait3A_80] : memref<65x128xi32, #tpu.memory_space<vmem>> -> memref<1x128xi32, #tpu.memory_space<vmem>>
        %dma_wait3A_82 = tpu.memref_squeeze %dma_wait3A_81 : memref<1x128xi32, #tpu.memory_space<vmem>> -> memref<128xi32, #tpu.memory_space<vmem>>
        %dma_wait3A_83 = arith.constant 0 : i32
        %dma_wait3A_84 = tpu.memref_slice %arg21[%dma_wait3A_83] : memref<1048576xf32, #tpu.memory_space<vmem_shared>> -> memref<1048576xf32, #tpu.memory_space<vmem_shared>>
        tpu.wait_indirect_dma semaphore(%arg22 : memref<!tpu.dma_semaphore, #tpu.memory_space<semaphore_mem>>) src(%dma_wait3A_79 : memref<128xf32, #tpu.memory_space<vmem>>) dst(%dma_wait3A_84 : memref<1048576xf32, #tpu.memory_space<vmem_shared>>)
      }
      %scan3A_61 = arith.constant 65 : i32
      %barrier3A_62 = arith.constant 0 : index
      tpu.barrier barrier_id(%barrier3A_62)
      %eq3A_63 = arith.constant 0 : i32
      %eq3A_64 = arith.cmpi eq, %arg0, %eq3A_63 : i32
      %convert_element_type3A_65 = arith.extui %eq3A_64 : i1 to i32
      %cond3A_66 = arith.constant 0 : i32
      %cond3A_67 = arith.cmpi ne, %convert_element_type3A_65, %cond3A_66 : i32
      scf.if %cond3A_67 {
        %scan3A_73 = arith.constant 0 : i32
        %scan3A_74 = arith.constant 16 : i32
        %scan3A_75 = arith.addi %scan3A_73, %scan3A_74 : i32
        %scan3A_76 = arith.constant 1 : i32
        scf.for %scan3A_83 = %scan3A_73 to %scan3A_75 step %scan3A_76  : i32 {
          %mul3A_84 = arith.constant 1 : i32
          %mul3A_85 = arith.muli %scan3A_83, %mul3A_84 : i32
          %add3A_86 = arith.constant 0 : i32
          %add3A_87 = arith.addi %add3A_86, %mul3A_85 : i32
          %mul3A_88 = arith.constant 16 : i32
          %mul3A_89 = arith.muli %arg1, %mul3A_88 : i32
          %add3A_90 = arith.addi %mul3A_89, %add3A_87 : i32
          %mul3A_91 = arith.constant 4096 : i32
          %mul3A_92 = arith.muli %add3A_90, %mul3A_91 : i32
          %mul3A_93 = arith.constant 256 : i32
          %mul3A_94 = arith.muli %add3A_34, %mul3A_93 : i32
          %add3A_95 = arith.addi %mul3A_94, %add3A_90 : i32
          %dma_start3A = arith.constant 0 : i32
          %dma_start3A_96 = tpu.memref_slice %arg8[%add3A_95, %dma_start3A] : memref<2048x4096xf32, #tpu.memory_space<hbm>> -> memref<1x4096xf32, #tpu.memory_space<hbm>>
          %dma_start3A_97 = tpu.memref_squeeze %dma_start3A_96 : memref<1x4096xf32, #tpu.memory_space<hbm>> -> memref<4096xf32, #tpu.memory_space<hbm>>
          %dma_start3A_98 = tpu.memref_slice %arg21[%mul3A_92] : memref<1048576xf32, #tpu.memory_space<vmem_shared>> -> memref<4096xf32, #tpu.memory_space<vmem_shared>>
          tpu.enqueue_dma source(%dma_start3A_98 : memref<4096xf32, #tpu.memory_space<vmem_shared>>) target(%dma_start3A_97 : memref<4096xf32, #tpu.memory_space<hbm>>) target_semaphore(%arg22 : memref<!tpu.dma_semaphore, #tpu.memory_space<semaphore_mem>>)
        }
        %scan3A_77 = arith.constant 16 : i32
        %scan3A_78 = arith.constant 0 : i32
        %scan3A_79 = arith.constant 16 : i32
        %scan3A_80 = arith.addi %scan3A_78, %scan3A_79 : i32
        %scan3A_81 = arith.constant 1 : i32
        scf.for %scan3A_83 = %scan3A_78 to %scan3A_80 step %scan3A_81  : i32 {
          %mul3A_84 = arith.constant 1 : i32
          %mul3A_85 = arith.muli %scan3A_83, %mul3A_84 : i32
          %add3A_86 = arith.constant 0 : i32
          %add3A_87 = arith.addi %add3A_86, %mul3A_85 : i32
          %mul3A_88 = arith.constant 16 : i32
          %mul3A_89 = arith.muli %arg1, %mul3A_88 : i32
          %add3A_90 = arith.addi %mul3A_89, %add3A_87 : i32
          %mul3A_91 = arith.constant 4096 : i32
          %mul3A_92 = arith.muli %add3A_90, %mul3A_91 : i32
          %mul3A_93 = arith.constant 256 : i32
          %mul3A_94 = arith.muli %add3A_34, %mul3A_93 : i32
          %add3A_95 = arith.addi %mul3A_94, %add3A_90 : i32
          %dma_wait3A = arith.constant 0 : i32
          %dma_wait3A_96 = tpu.memref_slice %arg8[%add3A_95, %dma_wait3A] : memref<2048x4096xf32, #tpu.memory_space<hbm>> -> memref<1x4096xf32, #tpu.memory_space<hbm>>
          %dma_wait3A_97 = tpu.memref_squeeze %dma_wait3A_96 : memref<1x4096xf32, #tpu.memory_space<hbm>> -> memref<4096xf32, #tpu.memory_space<hbm>>
          %dma_wait3A_98 = tpu.memref_slice %arg21[%mul3A_92] : memref<1048576xf32, #tpu.memory_space<vmem_shared>> -> memref<4096xf32, #tpu.memory_space<vmem_shared>>
          tpu.wait_dma2 semaphore(%arg22 : memref<!tpu.dma_semaphore, #tpu.memory_space<semaphore_mem>>) src(%dma_wait3A_98 : memref<4096xf32, #tpu.memory_space<vmem_shared>>) dst(%dma_wait3A_97 : memref<4096xf32, #tpu.memory_space<hbm>>)
        }
        %scan3A_82 = arith.constant 16 : i32
      } else {
      }
      %ne3A_68 = arith.constant 0 : i32
      %ne3A_69 = arith.cmpi ne, %arg0, %ne3A_68 : i32
      %convert_element_type3A_70 = arith.extui %ne3A_69 : i1 to i32
      %cond3A_71 = arith.constant 0 : i32
      %cond3A_72 = arith.cmpi ne, %convert_element_type3A_70, %cond3A_71 : i32
      scf.if %cond3A_72 {
        %scan3A_73 = arith.constant 0 : i32
        %scan3A_74 = arith.constant 16 : i32
        %scan3A_75 = arith.addi %scan3A_73, %scan3A_74 : i32
        %scan3A_76 = arith.constant 1 : i32
        scf.for %scan3A_83 = %scan3A_73 to %scan3A_75 step %scan3A_76  : i32 {
          %mul3A_84 = arith.constant 1 : i32
          %mul3A_85 = arith.muli %scan3A_83, %mul3A_84 : i32
          %add3A_86 = arith.constant 0 : i32
          %add3A_87 = arith.addi %add3A_86, %mul3A_85 : i32
          %mul3A_88 = arith.constant 16 : i32
          %mul3A_89 = arith.muli %arg1, %mul3A_88 : i32
          %add3A_90 = arith.addi %mul3A_89, %add3A_87 : i32
          %mul3A_91 = arith.constant 4096 : i32
          %mul3A_92 = arith.muli %add3A_90, %mul3A_91 : i32
          %mul3A_93 = arith.constant 256 : i32
          %mul3A_94 = arith.muli %add3A_34, %mul3A_93 : i32
          %add3A_95 = arith.addi %mul3A_94, %add3A_90 : i32
          %dma_start3A = arith.constant 0 : i32
          %dma_start3A_96 = tpu.memref_slice %arg9[%add3A_95, %dma_start3A] : memref<2048x4096xf32, #tpu.memory_space<hbm>> -> memref<1x4096xf32, #tpu.memory_space<hbm>>
          %dma_start3A_97 = tpu.memref_squeeze %dma_start3A_96 : memref<1x4096xf32, #tpu.memory_space<hbm>> -> memref<4096xf32, #tpu.memory_space<hbm>>
          %dma_start3A_98 = tpu.memref_slice %arg21[%mul3A_92] : memref<1048576xf32, #tpu.memory_space<vmem_shared>> -> memref<4096xf32, #tpu.memory_space<vmem_shared>>
          tpu.enqueue_dma source(%dma_start3A_98 : memref<4096xf32, #tpu.memory_space<vmem_shared>>) target(%dma_start3A_97 : memref<4096xf32, #tpu.memory_space<hbm>>) target_semaphore(%arg22 : memref<!tpu.dma_semaphore, #tpu.memory_space<semaphore_mem>>)
        }
        %scan3A_77 = arith.constant 16 : i32
        %scan3A_78 = arith.constant 0 : i32
        %scan3A_79 = arith.constant 16 : i32
        %scan3A_80 = arith.addi %scan3A_78, %scan3A_79 : i32
        %scan3A_81 = arith.constant 1 : i32
        scf.for %scan3A_83 = %scan3A_78 to %scan3A_80 step %scan3A_81  : i32 {
          %mul3A_84 = arith.constant 1 : i32
          %mul3A_85 = arith.muli %scan3A_83, %mul3A_84 : i32
          %add3A_86 = arith.constant 0 : i32
          %add3A_87 = arith.addi %add3A_86, %mul3A_85 : i32
          %mul3A_88 = arith.constant 16 : i32
          %mul3A_89 = arith.muli %arg1, %mul3A_88 : i32
          %add3A_90 = arith.addi %mul3A_89, %add3A_87 : i32
          %mul3A_91 = arith.constant 4096 : i32
          %mul3A_92 = arith.muli %add3A_90, %mul3A_91 : i32
          %mul3A_93 = arith.constant 256 : i32
          %mul3A_94 = arith.muli %add3A_34, %mul3A_93 : i32
          %add3A_95 = arith.addi %mul3A_94, %add3A_90 : i32
          %dma_wait3A = arith.constant 0 : i32
          %dma_wait3A_96 = tpu.memref_slice %arg9[%add3A_95, %dma_wait3A] : memref<2048x4096xf32, #tpu.memory_space<hbm>> -> memref<1x4096xf32, #tpu.memory_space<hbm>>
          %dma_wait3A_97 = tpu.memref_squeeze %dma_wait3A_96 : memref<1x4096xf32, #tpu.memory_space<hbm>> -> memref<4096xf32, #tpu.memory_space<hbm>>
          %dma_wait3A_98 = tpu.memref_slice %arg21[%mul3A_92] : memref<1048576xf32, #tpu.memory_space<vmem_shared>> -> memref<4096xf32, #tpu.memory_space<vmem_shared>>
          tpu.wait_dma2 semaphore(%arg22 : memref<!tpu.dma_semaphore, #tpu.memory_space<semaphore_mem>>) src(%dma_wait3A_98 : memref<4096xf32, #tpu.memory_space<vmem_shared>>) dst(%dma_wait3A_97 : memref<4096xf32, #tpu.memory_space<hbm>>)
        }
        %scan3A_82 = arith.constant 16 : i32
      } else {
      }
    }
    %scan3A_29 = arith.constant 8 : i32
    return
  }
}

module attributes {stable_mosaic.version = 14 : i64} {
  func.func @_rank_kernel(%arg0: i32, %arg1: memref<512x1xf32, #tpu.memory_space<vmem>>, %arg2: memref<1x4096xf32, #tpu.memory_space<vmem>>, %arg3: memref<512x1xi32, #tpu.memory_space<vmem>>) attributes {dimension_semantics = [#tpu.dimension_semantics<arbitrary>], iteration_bounds = array<i64: 8>, scalar_prefetch = 0 : i64, scratch_operands = 0 : i64, tpu.core_type = #tpu.core_type<tc>, window_params = [{transform_indices = @transform_0, window_bounds = array<i64: 512, 1>}, {pipeline_mode = #tpu.pipeline_mode<synchronous>, transform_indices = @transform_1, window_bounds = array<i64: 1, 4096>}, {transform_indices = @transform_2, window_bounds = array<i64: 512, 1>}]} {
    %get3A = arith.constant 0 : index
    %get3A_0 = arith.constant 0 : index
    %get3A_1 = vector.load %arg1[%get3A, %get3A_0] : memref<512x1xf32, #tpu.memory_space<vmem>>, vector<512x1xf32>
    %get3A_2 = arith.constant 0 : index
    %get3A_3 = arith.constant 0 : index
    %get3A_4 = vector.load %arg2[%get3A_2, %get3A_3] : memref<1x4096xf32, #tpu.memory_space<vmem>>, vector<1x4096xf32>
    %gt3A = vector.broadcast %get3A_4 : vector<1x4096xf32> to vector<512x4096xf32>
    %gt3A_5 = vector.broadcast %get3A_1 : vector<512x1xf32> to vector<512x4096xf32>
    %gt3A_6 = arith.cmpf ogt, %gt3A, %gt3A_5 : vector<512x4096xf32>
    %convert_element_type3A = arith.extui %gt3A_6 : vector<512x4096xi1> to vector<512x4096xi32>
    %iota3A = tpu.iota {dimensions = array<i32: 1>} : vector<512x4096xi32>
    %mul3A = arith.constant 512 : i32
    %mul3A_7 = arith.muli %arg0, %mul3A : i32
    %iota3A_8 = tpu.iota {dimensions = array<i32: 0>} : vector<512x4096xi32>
    %add3A = vector.broadcast %mul3A_7 : i32 to vector<512x4096xi32>
    %add3A_9 = arith.addi %add3A, %iota3A_8 : vector<512x4096xi32>
    %eq3A = vector.broadcast %get3A_4 : vector<1x4096xf32> to vector<512x4096xf32>
    %eq3A_10 = vector.broadcast %get3A_1 : vector<512x1xf32> to vector<512x4096xf32>
    %eq3A_11 = arith.cmpf oeq, %eq3A, %eq3A_10 : vector<512x4096xf32>
    %lt3A = arith.cmpi slt, %iota3A, %add3A_9 : vector<512x4096xi32>
    %and3A = arith.andi %eq3A_11, %lt3A : vector<512x4096xi1>
    %convert_element_type3A_12 = arith.extui %and3A : vector<512x4096xi1> to vector<512x4096xi32>
    %add3A_13 = arith.addi %convert_element_type3A, %convert_element_type3A_12 : vector<512x4096xi32>
    %reduce_sum3A = arith.constant dense<0> : vector<512xi32>
    %reduce_sum3A_14 = vector.multi_reduction <add>, %add3A_13, %reduce_sum3A [1] : vector<512x4096xi32> to vector<512xi32>
    %broadcast_in_dim3A = vector.shape_cast %reduce_sum3A_14 : vector<512xi32> to vector<512x1xi32>
    %swap3A = arith.constant 0 : index
    %swap3A_15 = arith.constant 0 : index
    %swap3A_16 = vector.load %arg3[%swap3A, %swap3A_15] : memref<512x1xi32, #tpu.memory_space<vmem>>, vector<512x1xi32>
    tpu.vector_store %arg3[%swap3A, %swap3A_15], %broadcast_in_dim3A {strides = array<i32>} : memref<512x1xi32, #tpu.memory_space<vmem>>, vector<512x1xi32>,
    return
  }
  func.func @transform_0(%arg0: i32) -> (i32, i32) {
    %c0_i32 = arith.constant 0 : i32
    %c0_i32_0 = arith.constant 0 : i32
    return %arg0, %c0_i32 : i32, i32
  }
  func.func @transform_1(%arg0: i32) -> (i32, i32) {
    %c0_i32 = arith.constant 0 : i32
    %c0_i32_0 = arith.constant 0 : i32
    %c0_i32_1 = arith.constant 0 : i32
    return %c0_i32, %c0_i32_0 : i32, i32
  }
  func.func @transform_2(%arg0: i32) -> (i32, i32) {
    %c0_i32 = arith.constant 0 : i32
    %c0_i32_0 = arith.constant 0 : i32
    return %arg0, %c0_i32 : i32, i32
  }
}

module attributes {stable_mosaic.version = 14 : i64} {
  func.func @_perm_kernel(%arg0: i32, %arg1: memref<1x4096xi32, #tpu.memory_space<vmem>>, %arg2: memref<1x4096xf32, #tpu.memory_space<vmem>>, %arg3: memref<512x1xi32, #tpu.memory_space<vmem>>, %arg4: memref<512x1xf32, #tpu.memory_space<vmem>>) attributes {dimension_semantics = [#tpu.dimension_semantics<arbitrary>], iteration_bounds = array<i64: 8>, scalar_prefetch = 0 : i64, scratch_operands = 0 : i64, tpu.core_type = #tpu.core_type<tc>, window_params = [{pipeline_mode = #tpu.pipeline_mode<synchronous>, transform_indices = @transform_0, window_bounds = array<i64: 1, 4096>}, {pipeline_mode = #tpu.pipeline_mode<synchronous>, transform_indices = @transform_1, window_bounds = array<i64: 1, 4096>}, {transform_indices = @transform_2, window_bounds = array<i64: 512, 1>}, {transform_indices = @transform_3, window_bounds = array<i64: 512, 1>}]} {
    %get3A = arith.constant 0 : index
    %get3A_0 = arith.constant 0 : index
    %get3A_1 = vector.load %arg1[%get3A, %get3A_0] : memref<1x4096xi32, #tpu.memory_space<vmem>>, vector<1x4096xi32>
    %get3A_2 = arith.constant 0 : index
    %get3A_3 = arith.constant 0 : index
    %get3A_4 = vector.load %arg2[%get3A_2, %get3A_3] : memref<1x4096xf32, #tpu.memory_space<vmem>>, vector<1x4096xf32>
    %mul3A = arith.constant 512 : i32
    %mul3A_5 = arith.muli %arg0, %mul3A : i32
    %iota3A = tpu.iota {dimensions = array<i32: 0>} : vector<512x4096xi32>
    %add3A = vector.broadcast %mul3A_5 : i32 to vector<512x4096xi32>
    %add3A_6 = arith.addi %add3A, %iota3A : vector<512x4096xi32>
    %eq3A = vector.broadcast %get3A_1 : vector<1x4096xi32> to vector<512x4096xi32>
    %eq3A_7 = arith.cmpi eq, %eq3A, %add3A_6 : vector<512x4096xi32>
    %iota3A_8 = tpu.iota {dimensions = array<i32: 1>} : vector<512x4096xi32>
    %jit3A = arith.constant 0 : i32
    %broadcast_in_dim3A = vector.broadcast %jit3A : i32 to vector<512x4096xi32>
    %select_n3A = arith.select %eq3A_7, %iota3A_8, %broadcast_in_dim3A : vector<512x4096xi1>, vector<512x4096xi32>
    %reduce_sum3A = arith.constant dense<0> : vector<512xi32>
    %reduce_sum3A_9 = vector.multi_reduction <add>, %select_n3A, %reduce_sum3A [1] : vector<512x4096xi32> to vector<512xi32>
    %broadcast_in_dim3A_10 = vector.shape_cast %reduce_sum3A_9 : vector<512xi32> to vector<512x1xi32>
    %swap3A = arith.constant 0 : index
    %swap3A_11 = arith.constant 0 : index
    %swap3A_12 = vector.load %arg3[%swap3A, %swap3A_11] : memref<512x1xi32, #tpu.memory_space<vmem>>, vector<512x1xi32>
    tpu.vector_store %arg3[%swap3A, %swap3A_11], %broadcast_in_dim3A_10 {strides = array<i32>} : memref<512x1xi32, #tpu.memory_space<vmem>>, vector<512x1xi32>,
    %jit3A_13 = arith.constant 0.000000e+00 : f32
    %broadcast_in_dim3A_14 = vector.shape_cast %get3A_4 : vector<1x4096xf32> to vector<1x4096xf32>
    %broadcast_in_dim3A_15 = vector.broadcast %broadcast_in_dim3A_14 : vector<1x4096xf32> to vector<512x4096xf32>
    %broadcast_in_dim3A_16 = vector.broadcast %jit3A_13 : f32 to vector<512x4096xf32>
    %select_n3A_17 = arith.select %eq3A_7, %broadcast_in_dim3A_15, %broadcast_in_dim3A_16 : vector<512x4096xi1>, vector<512x4096xf32>
    %reduce_sum3A_18 = arith.constant dense<0.000000e+00> : vector<512xf32>
    %reduce_sum3A_19 = vector.multi_reduction <add>, %select_n3A_17, %reduce_sum3A_18 [1] : vector<512x4096xf32> to vector<512xf32>
    %broadcast_in_dim3A_20 = vector.shape_cast %reduce_sum3A_19 : vector<512xf32> to vector<512x1xf32>
    %swap3A_21 = arith.constant 0 : index
    %swap3A_22 = arith.constant 0 : index
    %swap3A_23 = vector.load %arg4[%swap3A_21, %swap3A_22] : memref<512x1xf32, #tpu.memory_space<vmem>>, vector<512x1xf32>
    tpu.vector_store %arg4[%swap3A_21, %swap3A_22], %broadcast_in_dim3A_20 {strides = array<i32>} : memref<512x1xf32, #tpu.memory_space<vmem>>, vector<512x1xf32>,
    return
  }
  func.func @transform_0(%arg0: i32) -> (i32, i32) {
    %c0_i32 = arith.constant 0 : i32
    %c0_i32_0 = arith.constant 0 : i32
    %c0_i32_1 = arith.constant 0 : i32
    return %c0_i32, %c0_i32_0 : i32, i32
  }
  func.func @transform_1(%arg0: i32) -> (i32, i32) {
    %c0_i32 = arith.constant 0 : i32
    %c0_i32_0 = arith.constant 0 : i32
    %c0_i32_1 = arith.constant 0 : i32
    return %c0_i32, %c0_i32_0 : i32, i32
  }
  func.func @transform_2(%arg0: i32) -> (i32, i32) {
    %c0_i32 = arith.constant 0 : i32
    %c0_i32_0 = arith.constant 0 : i32
    return %arg0, %c0_i32 : i32, i32
  }
  func.func @transform_3(%arg0: i32) -> (i32, i32) {
    %c0_i32 = arith.constant 0 : i32
    %c0_i32_0 = arith.constant 0 : i32
    return %arg0, %c0_i32 : i32, i32
  }
}

module attributes {stable_mosaic.version = 14 : i64} {
  func.func @_ap_kernel(%arg0: i32, %arg1: i32, %arg2: memref<256x4096xf32, #tpu.memory_space<vmem>>, %arg3: memref<1024x4096xbf16, #tpu.memory_space<vmem>>, %arg4: memref<256x1024xf32, #tpu.memory_space<vmem>>, %arg5: memref<256x1024xbf16, #tpu.memory_space<vmem>>, %arg6: memref<1x1x1024xf32, #tpu.memory_space<vmem>>) attributes {dimension_semantics = [#tpu.dimension_semantics<parallel>, #tpu.dimension_semantics<arbitrary>], iteration_bounds = array<i64: 2, 8>, scalar_prefetch = 0 : i64, scratch_operands = 0 : i64, tpu.core_type = #tpu.core_type<tc>, window_params = [{transform_indices = @transform_0, window_bounds = array<i64: 256, 4096>}, {transform_indices = @transform_1, window_bounds = array<i64: 1024, 4096>}, {transform_indices = @transform_2, window_bounds = array<i64: 256, 1024>}, {transform_indices = @transform_3, window_bounds = array<i64: 256, 1024>}, {transform_indices = @transform_4, window_bounds = array<i64: 1, 1, 1024>}]} {
    %get3A = arith.constant 0 : index
    %get3A_0 = arith.constant 0 : index
    %get3A_1 = vector.load %arg2[%get3A, %get3A_0] : memref<256x4096xf32, #tpu.memory_space<vmem>>, vector<256x4096xf32>
    %convert_element_type3A = arith.truncf %get3A_1 : vector<256x4096xf32> to vector<256x4096xbf16>
    %get3A_2 = arith.constant 0 : index
    %get3A_3 = arith.constant 0 : index
    %get3A_4 = vector.load %arg3[%get3A_2, %get3A_3] : memref<1024x4096xbf16, #tpu.memory_space<vmem>>, vector<1024x4096xbf16>
    %dot_general3A = arith.constant dense<0.000000e+00> : vector<256x1024xf32>
    %dot_general3A_5 = tpu.matmul %convert_element_type3A, %get3A_4, %dot_general3A {dimension_numbers = #tpu.dot_dimension_numbers<[1], [1], [0], [0], [0, 0, 1, 0], [], []>, transpose_lhs_hint = false} : vector<256x4096xbf16>, vector<1024x4096xbf16>, vector<256x1024xf32> -> vector<256x1024xf32>
    %mul3A = arith.constant 256 : i32
    %mul3A_6 = arith.muli %arg1, %mul3A : i32
    %iota3A = tpu.iota {dimensions = array<i32: 0>} : vector<256x1024xi32>
    %add3A = vector.broadcast %mul3A_6 : i32 to vector<256x1024xi32>
    %add3A_7 = arith.addi %add3A, %iota3A : vector<256x1024xi32>
    %mul3A_8 = arith.constant 1024 : i32
    %mul3A_9 = arith.muli %arg0, %mul3A_8 : i32
    %iota3A_10 = tpu.iota {dimensions = array<i32: 1>} : vector<256x1024xi32>
    %add3A_11 = vector.broadcast %mul3A_9 : i32 to vector<256x1024xi32>
    %add3A_12 = arith.addi %add3A_11, %iota3A_10 : vector<256x1024xi32>
    %eq3A = arith.cmpi eq, %add3A_7, %add3A_12 : vector<256x1024xi32>
    %jit3A = arith.constant 0.000000e+00 : f32
    %broadcast_in_dim3A = vector.broadcast %jit3A : f32 to vector<256x1024xf32>
    %select_n3A = arith.select %eq3A, %broadcast_in_dim3A, %dot_general3A_5 : vector<256x1024xi1>, vector<256x1024xf32>
    %swap3A = arith.constant 0 : index
    %swap3A_13 = arith.constant 0 : index
    %swap3A_14 = vector.load %arg4[%swap3A, %swap3A_13] : memref<256x1024xf32, #tpu.memory_space<vmem>>, vector<256x1024xf32>
    tpu.vector_store %arg4[%swap3A, %swap3A_13], %select_n3A {strides = array<i32>} : memref<256x1024xf32, #tpu.memory_space<vmem>>, vector<256x1024xf32>,
    %convert_element_type3A_15 = arith.truncf %select_n3A : vector<256x1024xf32> to vector<256x1024xbf16>
    %swap3A_16 = arith.constant 0 : index
    %swap3A_17 = arith.constant 0 : index
    %swap3A_18 = vector.load %arg5[%swap3A_16, %swap3A_17] : memref<256x1024xbf16, #tpu.memory_space<vmem>>, vector<256x1024xbf16>
    tpu.vector_store %arg5[%swap3A_16, %swap3A_17], %convert_element_type3A_15 {strides = array<i32>} : memref<256x1024xbf16, #tpu.memory_space<vmem>>, vector<256x1024xbf16>,
    %reduce_sum3A = arith.constant dense<0.000000e+00> : vector<1024xf32>
    %reduce_sum3A_19 = vector.multi_reduction <add>, %select_n3A, %reduce_sum3A [0] : vector<256x1024xf32> to vector<1024xf32>
    %broadcast_in_dim3A_20 = vector.shape_cast %reduce_sum3A_19 : vector<1024xf32> to vector<1x1024xf32>
    %broadcast_in_dim3A_21 = vector.shape_cast %broadcast_in_dim3A_20 : vector<1x1024xf32> to vector<1x1x1024xf32>
    %eq3A_22 = arith.constant 0 : i32
    %eq3A_23 = arith.cmpi eq, %arg1, %eq3A_22 : i32
    %convert_element_type3A_24 = arith.extui %eq3A_23 : i1 to i32
    %cond3A = arith.constant 0 : i32
    %cond3A_25 = arith.cmpi ne, %convert_element_type3A_24, %cond3A : i32
    scf.if %cond3A_25 {
      %swap3A_30 = arith.constant 0 : index
      %swap3A_31 = arith.constant 0 : index
      %swap3A_32 = arith.constant 0 : index
      %swap3A_33 = vector.load %arg6[%swap3A_30, %swap3A_31, %swap3A_32] : memref<1x1x1024xf32, #tpu.memory_space<vmem>>, vector<1x1x1024xf32>
      tpu.vector_store %arg6[%swap3A_30, %swap3A_31, %swap3A_32], %broadcast_in_dim3A_21 {strides = array<i32>} : memref<1x1x1024xf32, #tpu.memory_space<vmem>>, vector<1x1x1024xf32>,
    } else {
    }
    %ne3A = arith.constant 0 : i32
    %ne3A_26 = arith.cmpi ne, %arg1, %ne3A : i32
    %convert_element_type3A_27 = arith.extui %ne3A_26 : i1 to i32
    %cond3A_28 = arith.constant 0 : i32
    %cond3A_29 = arith.cmpi ne, %convert_element_type3A_27, %cond3A_28 : i32
    scf.if %cond3A_29 {
      %get3A_30 = arith.constant 0 : index
      %get3A_31 = arith.constant 0 : index
      %get3A_32 = arith.constant 0 : index
      %get3A_33 = vector.load %arg6[%get3A_30, %get3A_31, %get3A_32] : memref<1x1x1024xf32, #tpu.memory_space<vmem>>, vector<1x1x1024xf32>
      %add3A_34 = arith.addf %get3A_33, %broadcast_in_dim3A_21 : vector<1x1x1024xf32>
      %swap3A_35 = arith.constant 0 : index
      %swap3A_36 = arith.constant 0 : index
      %swap3A_37 = arith.constant 0 : index
      %swap3A_38 = vector.load %arg6[%swap3A_35, %swap3A_36, %swap3A_37] : memref<1x1x1024xf32, #tpu.memory_space<vmem>>, vector<1x1x1024xf32>
      tpu.vector_store %arg6[%swap3A_35, %swap3A_36, %swap3A_37], %add3A_34 {strides = array<i32>} : memref<1x1x1024xf32, #tpu.memory_space<vmem>>, vector<1x1x1024xf32>,
    } else {
    }
    return
  }
  func.func @transform_0(%arg0: i32, %arg1: i32) -> (i32, i32) {
    %c0_i32 = arith.constant 0 : i32
    %c0_i32_0 = arith.constant 0 : i32
    return %arg1, %c0_i32 : i32, i32
  }
  func.func @transform_1(%arg0: i32, %arg1: i32) -> (i32, i32) {
    %c0_i32 = arith.constant 0 : i32
    %c0_i32_0 = arith.constant 0 : i32
    return %arg0, %c0_i32 : i32, i32
  }
  func.func @transform_2(%arg0: i32, %arg1: i32) -> (i32, i32) {
    %c0_i32 = arith.constant 0 : i32
    return %arg1, %arg0 : i32, i32
  }
  func.func @transform_3(%arg0: i32, %arg1: i32) -> (i32, i32) {
    %c0_i32 = arith.constant 0 : i32
    return %arg1, %arg0 : i32, i32
  }
  func.func @transform_4(%arg0: i32, %arg1: i32) -> (i32, i32, i32) {
    %c0_i32 = arith.constant 0 : i32
    %c0_i32_0 = arith.constant 0 : i32
    %c0_i32_1 = arith.constant 0 : i32
    return %arg0, %c0_i32, %c0_i32_0 : i32, i32, i32
  }
}

module attributes {stable_mosaic.version = 14 : i64} {
  func.func @_gcn2_kernel(%arg0: i32, %arg1: memref<2048x512xbf16, #tpu.memory_space<vmem>>, %arg2: memref<2048x1xf32, #tpu.memory_space<vmem>>, %arg3: memref<2048x256xf32, #tpu.memory_space<vmem>>, %arg4: memref<2048x1xf32, #tpu.memory_space<vmem>>, %arg5: memref<512x1xf32, #tpu.memory_space<vmem>>, %arg6: memref<512x256xf32, #tpu.memory_space<vmem>>, %arg7: memref<512x1xf32, #tpu.memory_space<vmem>>, %arg8: memref<256x256xf32, #tpu.memory_space<vmem>>, %arg9: memref<1x256xf32, #tpu.memory_space<vmem>>, %arg10: memref<1x256xf32, #tpu.memory_space<vmem>>, %arg11: memref<1x256xf32, #tpu.memory_space<vmem>>, %arg12: memref<256x512xf32, #tpu.memory_space<vmem>>, %arg13: memref<1x512xf32, #tpu.memory_space<vmem>>, %arg14: memref<1x256xf32, #tpu.memory_space<vmem>>, %arg15: memref<512x256xf32, #tpu.memory_space<vmem>>) attributes {dimension_semantics = [#tpu.dimension_semantics<parallel>], iteration_bounds = array<i64: 4>, scalar_prefetch = 0 : i64, scratch_operands = 0 : i64, tpu.core_type = #tpu.core_type<tc>, window_params = [{transform_indices = @transform_0, window_bounds = array<i64: 2048, 512>}, {pipeline_mode = #tpu.pipeline_mode<synchronous>, transform_indices = @transform_1, window_bounds = array<i64: 2048, 1>}, {pipeline_mode = #tpu.pipeline_mode<synchronous>, transform_indices = @transform_2, window_bounds = array<i64: 2048, 256>}, {pipeline_mode = #tpu.pipeline_mode<synchronous>, transform_indices = @transform_3, window_bounds = array<i64: 2048, 1>}, {transform_indices = @transform_4, window_bounds = array<i64: 512, 1>}, {transform_indices = @transform_5, window_bounds = array<i64: 512, 256>}, {transform_indices = @transform_6, window_bounds = array<i64: 512, 1>}, {pipeline_mode = #tpu.pipeline_mode<synchronous>, transform_indices = @transform_7, window_bounds = array<i64: 256, 256>}, {pipeline_mode = #tpu.pipeline_mode<synchronous>, transform_indices = @transform_8, window_bounds = array<i64: 1, 256>}, {pipeline_mode = #tpu.pipeline_mode<synchronous>, transform_indices = @transform_9, window_bounds = array<i64: 1, 256>}, {pipeline_mode = #tpu.pipeline_mode<synchronous>, transform_indices = @transform_10, window_bounds = array<i64: 1, 256>}, {pipeline_mode = #tpu.pipeline_mode<synchronous>, transform_indices = @transform_11, window_bounds = array<i64: 256, 512>}, {pipeline_mode = #tpu.pipeline_mode<synchronous>, transform_indices = @transform_12, window_bounds = array<i64: 1, 512>}, {pipeline_mode = #tpu.pipeline_mode<synchronous>, transform_indices = @transform_13, window_bounds = array<i64: 1, 256>}, {transform_indices = @transform_14, window_bounds = array<i64: 512, 256>}]} {
    %get3A = arith.constant 0 : index
    %get3A_0 = arith.constant 0 : index
    %get3A_1 = vector.load %arg2[%get3A, %get3A_0] : memref<2048x1xf32, #tpu.memory_space<vmem>>, vector<2048x1xf32>
    %add3A = arith.constant 2.000000e+00 : f32
    %add3A_2 = vector.broadcast %add3A : f32 to vector<2048x1xf32>
    %add3A_3 = arith.addf %get3A_1, %add3A_2 : vector<2048x1xf32>
    %rsqrt3A = math.rsqrt %add3A_3 : vector<2048x1xf32>
    %get3A_4 = arith.constant 0 : index
    %get3A_5 = arith.constant 0 : index
    %get3A_6 = vector.load %arg3[%get3A_4, %get3A_5] : memref<2048x256xf32, #tpu.memory_space<vmem>>, vector<2048x256xf32>
    %get3A_7 = arith.constant 0 : index
    %get3A_8 = arith.constant 0 : index
    %get3A_9 = vector.load %arg6[%get3A_7, %get3A_8] : memref<512x256xf32, #tpu.memory_space<vmem>>, vector<512x256xf32>
    %get3A_10 = arith.constant 0 : index
    %get3A_11 = arith.constant 0 : index
    %get3A_12 = vector.load %arg4[%get3A_10, %get3A_11] : memref<2048x1xf32, #tpu.memory_space<vmem>>, vector<2048x1xf32>
    %mul3A = vector.broadcast %get3A_12 : vector<2048x1xf32> to vector<2048x256xf32>
    %mul3A_13 = arith.mulf %get3A_6, %mul3A : vector<2048x256xf32>
    %get3A_14 = arith.constant 0 : index
    %get3A_15 = arith.constant 0 : index
    %get3A_16 = vector.load %arg7[%get3A_14, %get3A_15] : memref<512x1xf32, #tpu.memory_space<vmem>>, vector<512x1xf32>
    %mul3A_17 = vector.broadcast %get3A_16 : vector<512x1xf32> to vector<512x256xf32>
    %mul3A_18 = arith.mulf %get3A_9, %mul3A_17 : vector<512x256xf32>
    %mul3A_19 = vector.broadcast %rsqrt3A : vector<2048x1xf32> to vector<2048x256xf32>
    %mul3A_20 = arith.mulf %mul3A_13, %mul3A_19 : vector<2048x256xf32>
    %get3A_21 = arith.constant 0 : index
    %get3A_22 = arith.constant 0 : index
    %get3A_23 = vector.load %arg8[%get3A_21, %get3A_22] : memref<256x256xf32, #tpu.memory_space<vmem>>, vector<256x256xf32>
    %dot_general3A = arith.constant dense<0.000000e+00> : vector<2048x256xf32>
    %dot_general3A_24 = tpu.matmul %mul3A_20, %get3A_23, %dot_general3A {dimension_numbers = #tpu.dot_dimension_numbers<[1], [1], [0], [0], [0, 0, 1, 0], [], []>, transpose_lhs_hint = false} : vector<2048x256xf32>, vector<256x256xf32>, vector<2048x256xf32> -> vector<2048x256xf32>
    %get3A_25 = arith.constant 0 : index
    %get3A_26 = arith.constant 0 : index
    %get3A_27 = vector.load %arg1[%get3A_25, %get3A_26] : memref<2048x512xbf16, #tpu.memory_space<vmem>>, vector<2048x512xbf16>
    %convert_element_type3A = arith.truncf %dot_general3A_24 : vector<2048x256xf32> to vector<2048x256xbf16>
    %dot_general3A_28 = arith.constant dense<0.000000e+00> : vector<512x256xf32>
    %dot_general3A_29 = tpu.matmul %get3A_27, %convert_element_type3A, %dot_general3A_28 {dimension_numbers = #tpu.dot_dimension_numbers<[0], [0], [1], [1], [0, 1, 1, 1], [], []>, transpose_lhs_hint = false} : vector<2048x512xbf16>, vector<2048x256xbf16>, vector<512x256xf32> -> vector<512x256xf32>
    %get3A_30 = arith.constant 0 : index
    %get3A_31 = arith.constant 0 : index
    %get3A_32 = vector.load %arg5[%get3A_30, %get3A_31] : memref<512x1xf32, #tpu.memory_space<vmem>>, vector<512x1xf32>
    %add3A_33 = arith.constant 2.000000e+00 : f32
    %add3A_34 = vector.broadcast %add3A_33 : f32 to vector<512x1xf32>
    %add3A_35 = arith.addf %get3A_32, %add3A_34 : vector<512x1xf32>
    %rsqrt3A_36 = math.rsqrt %add3A_35 : vector<512x1xf32>
    %mul3A_37 = vector.broadcast %rsqrt3A_36 : vector<512x1xf32> to vector<512x256xf32>
    %mul3A_38 = arith.mulf %mul3A_18, %mul3A_37 : vector<512x256xf32>
    %get3A_39 = arith.constant 0 : index
    %get3A_40 = arith.constant 0 : index
    %get3A_41 = vector.load %arg8[%get3A_39, %get3A_40] : memref<256x256xf32, #tpu.memory_space<vmem>>, vector<256x256xf32>
    %dot_general3A_42 = arith.constant dense<0.000000e+00> : vector<512x256xf32>
    %dot_general3A_43 = tpu.matmul %mul3A_38, %get3A_41, %dot_general3A_42 {dimension_numbers = #tpu.dot_dimension_numbers<[1], [1], [0], [0], [0, 0, 1, 0], [], []>, transpose_lhs_hint = false} : vector<512x256xf32>, vector<256x256xf32>, vector<512x256xf32> -> vector<512x256xf32>
    %mul3A_44 = arith.constant 2.000000e+00 : f32
    %mul3A_45 = vector.broadcast %mul3A_44 : f32 to vector<512x256xf32>
    %mul3A_46 = arith.mulf %mul3A_45, %dot_general3A_43 : vector<512x256xf32>
    %add3A_47 = arith.addf %dot_general3A_29, %mul3A_46 : vector<512x256xf32>
    %mul3A_48 = vector.broadcast %rsqrt3A_36 : vector<512x1xf32> to vector<512x256xf32>
    %mul3A_49 = arith.mulf %mul3A_48, %add3A_47 : vector<512x256xf32>
    %get3A_50 = arith.constant 0 : index
    %get3A_51 = arith.constant 0 : index
    %get3A_52 = vector.load %arg9[%get3A_50, %get3A_51] : memref<1x256xf32, #tpu.memory_space<vmem>>, vector<1x256xf32>
    %add3A_53 = vector.broadcast %get3A_52 : vector<1x256xf32> to vector<512x256xf32>
    %add3A_54 = arith.addf %mul3A_49, %add3A_53 : vector<512x256xf32>
    %max3A = arith.constant 0.000000e+00 : f32
    %max3A_55 = vector.broadcast %max3A : f32 to vector<512x256xf32>
    %max3A_56 = arith.maximumf %add3A_54, %max3A_55 : vector<512x256xf32>
    %reduce_sum3A = arith.constant dense<0.000000e+00> : vector<512xf32>
    %reduce_sum3A_57 = vector.multi_reduction <add>, %max3A_56, %reduce_sum3A [1] : vector<512x256xf32> to vector<512xf32>
    %broadcast_in_dim3A = vector.shape_cast %reduce_sum3A_57 : vector<512xf32> to vector<512x1xf32>
    %div3A = arith.constant 2.560000e+02 : f32
    %div3A_58 = vector.broadcast %div3A : f32 to vector<512x1xf32>
    %div3A_59 = arith.divf %broadcast_in_dim3A, %div3A_58 : vector<512x1xf32>
    %sub3A = vector.broadcast %div3A_59 : vector<512x1xf32> to vector<512x256xf32>
    %sub3A_60 = arith.subf %max3A_56, %sub3A : vector<512x256xf32>
    %integer_pow3A = arith.mulf %sub3A_60, %sub3A_60 : vector<512x256xf32>
    %reduce_sum3A_61 = arith.constant dense<0.000000e+00> : vector<512xf32>
    %reduce_sum3A_62 = vector.multi_reduction <add>, %integer_pow3A, %reduce_sum3A_61 [1] : vector<512x256xf32> to vector<512xf32>
    %broadcast_in_dim3A_63 = vector.shape_cast %reduce_sum3A_62 : vector<512xf32> to vector<512x1xf32>
    %div3A_64 = arith.constant 2.560000e+02 : f32
    %div3A_65 = vector.broadcast %div3A_64 : f32 to vector<512x1xf32>
    %div3A_66 = arith.divf %broadcast_in_dim3A_63, %div3A_65 : vector<512x1xf32>
    %sub3A_67 = vector.broadcast %div3A_59 : vector<512x1xf32> to vector<512x256xf32>
    %sub3A_68 = arith.subf %max3A_56, %sub3A_67 : vector<512x256xf32>
    %add3A_69 = arith.constant 9.99999974E-6 : f32
    %add3A_70 = vector.broadcast %add3A_69 : f32 to vector<512x1xf32>
    %add3A_71 = arith.addf %div3A_66, %add3A_70 : vector<512x1xf32>
    %rsqrt3A_72 = math.rsqrt %add3A_71 : vector<512x1xf32>
    %mul3A_73 = vector.broadcast %rsqrt3A_72 : vector<512x1xf32> to vector<512x256xf32>
    %mul3A_74 = arith.mulf %sub3A_68, %mul3A_73 : vector<512x256xf32>
    %get3A_75 = arith.constant 0 : index
    %get3A_76 = arith.constant 0 : index
    %get3A_77 = vector.load %arg10[%get3A_75, %get3A_76] : memref<1x256xf32, #tpu.memory_space<vmem>>, vector<1x256xf32>
    %mul3A_78 = vector.broadcast %get3A_77 : vector<1x256xf32> to vector<512x256xf32>
    %mul3A_79 = arith.mulf %mul3A_74, %mul3A_78 : vector<512x256xf32>
    %get3A_80 = arith.constant 0 : index
    %get3A_81 = arith.constant 0 : index
    %get3A_82 = vector.load %arg11[%get3A_80, %get3A_81] : memref<1x256xf32, #tpu.memory_space<vmem>>, vector<1x256xf32>
    %add3A_83 = vector.broadcast %get3A_82 : vector<1x256xf32> to vector<512x256xf32>
    %add3A_84 = arith.addf %mul3A_79, %add3A_83 : vector<512x256xf32>
    %get3A_85 = arith.constant 0 : index
    %get3A_86 = arith.constant 0 : index
    %get3A_87 = vector.load %arg13[%get3A_85, %get3A_86] : memref<1x512xf32, #tpu.memory_space<vmem>>, vector<1x512xf32>
    %get3A_88 = arith.constant 0 : index
    %get3A_89 = arith.constant 0 : index
    %get3A_90 = vector.load %arg12[%get3A_88, %get3A_89] : memref<256x512xf32, #tpu.memory_space<vmem>>, vector<256x512xf32>
    %dot_general3A_91 = arith.constant dense<0.000000e+00> : vector<1x256xf32>
    %dot_general3A_92 = tpu.matmul %get3A_87, %get3A_90, %dot_general3A_91 {dimension_numbers = #tpu.dot_dimension_numbers<[1], [1], [0], [0], [0, 0, 1, 0], [], []>, transpose_lhs_hint = false} : vector<1x512xf32>, vector<256x512xf32>, vector<1x256xf32> -> vector<1x256xf32>
    %get3A_93 = arith.constant 0 : index
    %get3A_94 = arith.constant 0 : index
    %get3A_95 = vector.load %arg14[%get3A_93, %get3A_94] : memref<1x256xf32, #tpu.memory_space<vmem>>, vector<1x256xf32>
    %add3A_96 = arith.addf %dot_general3A_92, %get3A_95 : vector<1x256xf32>
    %max3A_97 = arith.constant 0.000000e+00 : f32
    %max3A_98 = vector.broadcast %max3A_97 : f32 to vector<1x256xf32>
    %max3A_99 = arith.maximumf %add3A_96, %max3A_98 : vector<1x256xf32>
    %add3A_100 = vector.broadcast %max3A_99 : vector<1x256xf32> to vector<512x256xf32>
    %add3A_101 = arith.addf %add3A_84, %add3A_100 : vector<512x256xf32>
    %swap3A = arith.constant 0 : index
    %swap3A_102 = arith.constant 0 : index
    %swap3A_103 = vector.load %arg15[%swap3A, %swap3A_102] : memref<512x256xf32, #tpu.memory_space<vmem>>, vector<512x256xf32>
    tpu.vector_store %arg15[%swap3A, %swap3A_102], %add3A_101 {strides = array<i32>} : memref<512x256xf32, #tpu.memory_space<vmem>>, vector<512x256xf32>,
    return
  }
  func.func @transform_0(%arg0: i32) -> (i32, i32) {
    %c0_i32 = arith.constant 0 : i32
    %c0_i32_0 = arith.constant 0 : i32
    return %c0_i32, %arg0 : i32, i32
  }
  func.func @transform_1(%arg0: i32) -> (i32, i32) {
    %c0_i32 = arith.constant 0 : i32
    %c0_i32_0 = arith.constant 0 : i32
    %c0_i32_1 = arith.constant 0 : i32
    return %c0_i32, %c0_i32_0 : i32, i32
  }
  func.func @transform_2(%arg0: i32) -> (i32, i32) {
    %c0_i32 = arith.constant 0 : i32
    %c0_i32_0 = arith.constant 0 : i32
    %c0_i32_1 = arith.constant 0 : i32
    return %c0_i32, %c0_i32_0 : i32, i32
  }
  func.func @transform_3(%arg0: i32) -> (i32, i32) {
    %c0_i32 = arith.constant 0 : i32
    %c0_i32_0 = arith.constant 0 : i32
    %c0_i32_1 = arith.constant 0 : i32
    return %c0_i32, %c0_i32_0 : i32, i32
  }
  func.func @transform_4(%arg0: i32) -> (i32, i32) {
    %c0_i32 = arith.constant 0 : i32
    %c0_i32_0 = arith.constant 0 : i32
    return %arg0, %c0_i32 : i32, i32
  }
  func.func @transform_5(%arg0: i32) -> (i32, i32) {
    %c0_i32 = arith.constant 0 : i32
    %c0_i32_0 = arith.constant 0 : i32
    return %arg0, %c0_i32 : i32, i32
  }
  func.func @transform_6(%arg0: i32) -> (i32, i32) {
    %c0_i32 = arith.constant 0 : i32
    %c0_i32_0 = arith.constant 0 : i32
    return %arg0, %c0_i32 : i32, i32
  }
  func.func @transform_7(%arg0: i32) -> (i32, i32) {
    %c0_i32 = arith.constant 0 : i32
    %c0_i32_0 = arith.constant 0 : i32
    %c0_i32_1 = arith.constant 0 : i32
    return %c0_i32, %c0_i32_0 : i32, i32
  }
  func.func @transform_8(%arg0: i32) -> (i32, i32) {
    %c0_i32 = arith.constant 0 : i32
    %c0_i32_0 = arith.constant 0 : i32
    %c0_i32_1 = arith.constant 0 : i32
    return %c0_i32, %c0_i32_0 : i32, i32
  }
  func.func @transform_9(%arg0: i32) -> (i32, i32) {
    %c0_i32 = arith.constant 0 : i32
    %c0_i32_0 = arith.constant 0 : i32
    %c0_i32_1 = arith.constant 0 : i32
    return %c0_i32, %c0_i32_0 : i32, i32
  }
  func.func @transform_10(%arg0: i32) -> (i32, i32) {
    %c0_i32 = arith.constant 0 : i32
    %c0_i32_0 = arith.constant 0 : i32
    %c0_i32_1 = arith.constant 0 : i32
    return %c0_i32, %c0_i32_0 : i32, i32
  }
  func.func @transform_11(%arg0: i32) -> (i32, i32) {
    %c0_i32 = arith.constant 0 : i32
    %c0_i32_0 = arith.constant 0 : i32
    %c0_i32_1 = arith.constant 0 : i32
    return %c0_i32, %c0_i32_0 : i32, i32
  }
  func.func @transform_12(%arg0: i32) -> (i32, i32) {
    %c0_i32 = arith.constant 0 : i32
    %c0_i32_0 = arith.constant 0 : i32
    %c0_i32_1 = arith.constant 0 : i32
    return %c0_i32, %c0_i32_0 : i32, i32
  }
  func.func @transform_13(%arg0: i32) -> (i32, i32) {
    %c0_i32 = arith.constant 0 : i32
    %c0_i32_0 = arith.constant 0 : i32
    %c0_i32_1 = arith.constant 0 : i32
    return %c0_i32, %c0_i32_0 : i32, i32
  }
  func.func @transform_14(%arg0: i32) -> (i32, i32) {
    %c0_i32 = arith.constant 0 : i32
    %c0_i32_0 = arith.constant 0 : i32
    return %arg0, %c0_i32 : i32, i32
  }
}

module attributes {stable_mosaic.version = 14 : i64} {
  func.func @_gcn2_kernel(%arg0: i32, %arg1: memref<2048x512xbf16, #tpu.memory_space<vmem>>, %arg2: memref<2048x1xf32, #tpu.memory_space<vmem>>, %arg3: memref<2048x256xf32, #tpu.memory_space<vmem>>, %arg4: memref<512x1xf32, #tpu.memory_space<vmem>>, %arg5: memref<512x256xf32, #tpu.memory_space<vmem>>, %arg6: memref<256x256xf32, #tpu.memory_space<vmem>>, %arg7: memref<1x256xf32, #tpu.memory_space<vmem>>, %arg8: memref<1x256xf32, #tpu.memory_space<vmem>>, %arg9: memref<1x256xf32, #tpu.memory_space<vmem>>, %arg10: memref<512x256xf32, #tpu.memory_space<vmem>>) attributes {dimension_semantics = [#tpu.dimension_semantics<parallel>], iteration_bounds = array<i64: 4>, scalar_prefetch = 0 : i64, scratch_operands = 0 : i64, tpu.core_type = #tpu.core_type<tc>, window_params = [{transform_indices = @transform_0, window_bounds = array<i64: 2048, 512>}, {pipeline_mode = #tpu.pipeline_mode<synchronous>, transform_indices = @transform_1, window_bounds = array<i64: 2048, 1>}, {pipeline_mode = #tpu.pipeline_mode<synchronous>, transform_indices = @transform_2, window_bounds = array<i64: 2048, 256>}, {transform_indices = @transform_3, window_bounds = array<i64: 512, 1>}, {transform_indices = @transform_4, window_bounds = array<i64: 512, 256>}, {pipeline_mode = #tpu.pipeline_mode<synchronous>, transform_indices = @transform_5, window_bounds = array<i64: 256, 256>}, {pipeline_mode = #tpu.pipeline_mode<synchronous>, transform_indices = @transform_6, window_bounds = array<i64: 1, 256>}, {pipeline_mode = #tpu.pipeline_mode<synchronous>, transform_indices = @transform_7, window_bounds = array<i64: 1, 256>}, {pipeline_mode = #tpu.pipeline_mode<synchronous>, transform_indices = @transform_8, window_bounds = array<i64: 1, 256>}, {transform_indices = @transform_9, window_bounds = array<i64: 512, 256>}]} {
    %get3A = arith.constant 0 : index
    %get3A_0 = arith.constant 0 : index
    %get3A_1 = vector.load %arg2[%get3A, %get3A_0] : memref<2048x1xf32, #tpu.memory_space<vmem>>, vector<2048x1xf32>
    %add3A = arith.constant 2.000000e+00 : f32
    %add3A_2 = vector.broadcast %add3A : f32 to vector<2048x1xf32>
    %add3A_3 = arith.addf %get3A_1, %add3A_2 : vector<2048x1xf32>
    %rsqrt3A = math.rsqrt %add3A_3 : vector<2048x1xf32>
    %get3A_4 = arith.constant 0 : index
    %get3A_5 = arith.constant 0 : index
    %get3A_6 = vector.load %arg3[%get3A_4, %get3A_5] : memref<2048x256xf32, #tpu.memory_space<vmem>>, vector<2048x256xf32>
    %get3A_7 = arith.constant 0 : index
    %get3A_8 = arith.constant 0 : index
    %get3A_9 = vector.load %arg5[%get3A_7, %get3A_8] : memref<512x256xf32, #tpu.memory_space<vmem>>, vector<512x256xf32>
    %mul3A = vector.broadcast %rsqrt3A : vector<2048x1xf32> to vector<2048x256xf32>
    %mul3A_10 = arith.mulf %get3A_6, %mul3A : vector<2048x256xf32>
    %get3A_11 = arith.constant 0 : index
    %get3A_12 = arith.constant 0 : index
    %get3A_13 = vector.load %arg6[%get3A_11, %get3A_12] : memref<256x256xf32, #tpu.memory_space<vmem>>, vector<256x256xf32>
    %dot_general3A = arith.constant dense<0.000000e+00> : vector<2048x256xf32>
    %dot_general3A_14 = tpu.matmul %mul3A_10, %get3A_13, %dot_general3A {dimension_numbers = #tpu.dot_dimension_numbers<[1], [1], [0], [0], [0, 0, 1, 0], [], []>, transpose_lhs_hint = false} : vector<2048x256xf32>, vector<256x256xf32>, vector<2048x256xf32> -> vector<2048x256xf32>
    %get3A_15 = arith.constant 0 : index
    %get3A_16 = arith.constant 0 : index
    %get3A_17 = vector.load %arg1[%get3A_15, %get3A_16] : memref<2048x512xbf16, #tpu.memory_space<vmem>>, vector<2048x512xbf16>
    %convert_element_type3A = arith.truncf %dot_general3A_14 : vector<2048x256xf32> to vector<2048x256xbf16>
    %dot_general3A_18 = arith.constant dense<0.000000e+00> : vector<512x256xf32>
    %dot_general3A_19 = tpu.matmul %get3A_17, %convert_element_type3A, %dot_general3A_18 {dimension_numbers = #tpu.dot_dimension_numbers<[0], [0], [1], [1], [0, 1, 1, 1], [], []>, transpose_lhs_hint = false} : vector<2048x512xbf16>, vector<2048x256xbf16>, vector<512x256xf32> -> vector<512x256xf32>
    %get3A_20 = arith.constant 0 : index
    %get3A_21 = arith.constant 0 : index
    %get3A_22 = vector.load %arg4[%get3A_20, %get3A_21] : memref<512x1xf32, #tpu.memory_space<vmem>>, vector<512x1xf32>
    %add3A_23 = arith.constant 2.000000e+00 : f32
    %add3A_24 = vector.broadcast %add3A_23 : f32 to vector<512x1xf32>
    %add3A_25 = arith.addf %get3A_22, %add3A_24 : vector<512x1xf32>
    %rsqrt3A_26 = math.rsqrt %add3A_25 : vector<512x1xf32>
    %mul3A_27 = vector.broadcast %rsqrt3A_26 : vector<512x1xf32> to vector<512x256xf32>
    %mul3A_28 = arith.mulf %get3A_9, %mul3A_27 : vector<512x256xf32>
    %get3A_29 = arith.constant 0 : index
    %get3A_30 = arith.constant 0 : index
    %get3A_31 = vector.load %arg6[%get3A_29, %get3A_30] : memref<256x256xf32, #tpu.memory_space<vmem>>, vector<256x256xf32>
    %dot_general3A_32 = arith.constant dense<0.000000e+00> : vector<512x256xf32>
    %dot_general3A_33 = tpu.matmul %mul3A_28, %get3A_31, %dot_general3A_32 {dimension_numbers = #tpu.dot_dimension_numbers<[1], [1], [0], [0], [0, 0, 1, 0], [], []>, transpose_lhs_hint = false} : vector<512x256xf32>, vector<256x256xf32>, vector<512x256xf32> -> vector<512x256xf32>
    %mul3A_34 = arith.constant 2.000000e+00 : f32
    %mul3A_35 = vector.broadcast %mul3A_34 : f32 to vector<512x256xf32>
    %mul3A_36 = arith.mulf %mul3A_35, %dot_general3A_33 : vector<512x256xf32>
    %add3A_37 = arith.addf %dot_general3A_19, %mul3A_36 : vector<512x256xf32>
    %mul3A_38 = vector.broadcast %rsqrt3A_26 : vector<512x1xf32> to vector<512x256xf32>
    %mul3A_39 = arith.mulf %mul3A_38, %add3A_37 : vector<512x256xf32>
    %get3A_40 = arith.constant 0 : index
    %get3A_41 = arith.constant 0 : index
    %get3A_42 = vector.load %arg7[%get3A_40, %get3A_41] : memref<1x256xf32, #tpu.memory_space<vmem>>, vector<1x256xf32>
    %add3A_43 = vector.broadcast %get3A_42 : vector<1x256xf32> to vector<512x256xf32>
    %add3A_44 = arith.addf %mul3A_39, %add3A_43 : vector<512x256xf32>
    %max3A = arith.constant 0.000000e+00 : f32
    %max3A_45 = vector.broadcast %max3A : f32 to vector<512x256xf32>
    %max3A_46 = arith.maximumf %add3A_44, %max3A_45 : vector<512x256xf32>
    %reduce_sum3A = arith.constant dense<0.000000e+00> : vector<512xf32>
    %reduce_sum3A_47 = vector.multi_reduction <add>, %max3A_46, %reduce_sum3A [1] : vector<512x256xf32> to vector<512xf32>
    %broadcast_in_dim3A = vector.shape_cast %reduce_sum3A_47 : vector<512xf32> to vector<512x1xf32>
    %div3A = arith.constant 2.560000e+02 : f32
    %div3A_48 = vector.broadcast %div3A : f32 to vector<512x1xf32>
    %div3A_49 = arith.divf %broadcast_in_dim3A, %div3A_48 : vector<512x1xf32>
    %sub3A = vector.broadcast %div3A_49 : vector<512x1xf32> to vector<512x256xf32>
    %sub3A_50 = arith.subf %max3A_46, %sub3A : vector<512x256xf32>
    %integer_pow3A = arith.mulf %sub3A_50, %sub3A_50 : vector<512x256xf32>
    %reduce_sum3A_51 = arith.constant dense<0.000000e+00> : vector<512xf32>
    %reduce_sum3A_52 = vector.multi_reduction <add>, %integer_pow3A, %reduce_sum3A_51 [1] : vector<512x256xf32> to vector<512xf32>
    %broadcast_in_dim3A_53 = vector.shape_cast %reduce_sum3A_52 : vector<512xf32> to vector<512x1xf32>
    %div3A_54 = arith.constant 2.560000e+02 : f32
    %div3A_55 = vector.broadcast %div3A_54 : f32 to vector<512x1xf32>
    %div3A_56 = arith.divf %broadcast_in_dim3A_53, %div3A_55 : vector<512x1xf32>
    %sub3A_57 = vector.broadcast %div3A_49 : vector<512x1xf32> to vector<512x256xf32>
    %sub3A_58 = arith.subf %max3A_46, %sub3A_57 : vector<512x256xf32>
    %add3A_59 = arith.constant 9.99999974E-6 : f32
    %add3A_60 = vector.broadcast %add3A_59 : f32 to vector<512x1xf32>
    %add3A_61 = arith.addf %div3A_56, %add3A_60 : vector<512x1xf32>
    %rsqrt3A_62 = math.rsqrt %add3A_61 : vector<512x1xf32>
    %mul3A_63 = vector.broadcast %rsqrt3A_62 : vector<512x1xf32> to vector<512x256xf32>
    %mul3A_64 = arith.mulf %sub3A_58, %mul3A_63 : vector<512x256xf32>
    %get3A_65 = arith.constant 0 : index
    %get3A_66 = arith.constant 0 : index
    %get3A_67 = vector.load %arg8[%get3A_65, %get3A_66] : memref<1x256xf32, #tpu.memory_space<vmem>>, vector<1x256xf32>
    %mul3A_68 = vector.broadcast %get3A_67 : vector<1x256xf32> to vector<512x256xf32>
    %mul3A_69 = arith.mulf %mul3A_64, %mul3A_68 : vector<512x256xf32>
    %get3A_70 = arith.constant 0 : index
    %get3A_71 = arith.constant 0 : index
    %get3A_72 = vector.load %arg9[%get3A_70, %get3A_71] : memref<1x256xf32, #tpu.memory_space<vmem>>, vector<1x256xf32>
    %add3A_73 = vector.broadcast %get3A_72 : vector<1x256xf32> to vector<512x256xf32>
    %add3A_74 = arith.addf %mul3A_69, %add3A_73 : vector<512x256xf32>
    %swap3A = arith.constant 0 : index
    %swap3A_75 = arith.constant 0 : index
    %swap3A_76 = vector.load %arg10[%swap3A, %swap3A_75] : memref<512x256xf32, #tpu.memory_space<vmem>>, vector<512x256xf32>
    tpu.vector_store %arg10[%swap3A, %swap3A_75], %add3A_74 {strides = array<i32>} : memref<512x256xf32, #tpu.memory_space<vmem>>, vector<512x256xf32>,
    return
  }
  func.func @transform_0(%arg0: i32) -> (i32, i32) {
    %c0_i32 = arith.constant 0 : i32
    %c0_i32_0 = arith.constant 0 : i32
    return %c0_i32, %arg0 : i32, i32
  }
  func.func @transform_1(%arg0: i32) -> (i32, i32) {
    %c0_i32 = arith.constant 0 : i32
    %c0_i32_0 = arith.constant 0 : i32
    %c0_i32_1 = arith.constant 0 : i32
    return %c0_i32, %c0_i32_0 : i32, i32
  }
  func.func @transform_2(%arg0: i32) -> (i32, i32) {
    %c0_i32 = arith.constant 0 : i32
    %c0_i32_0 = arith.constant 0 : i32
    %c0_i32_1 = arith.constant 0 : i32
    return %c0_i32, %c0_i32_0 : i32, i32
  }
  func.func @transform_3(%arg0: i32) -> (i32, i32) {
    %c0_i32 = arith.constant 0 : i32
    %c0_i32_0 = arith.constant 0 : i32
    return %arg0, %c0_i32 : i32, i32
  }
  func.func @transform_4(%arg0: i32) -> (i32, i32) {
    %c0_i32 = arith.constant 0 : i32
    %c0_i32_0 = arith.constant 0 : i32
    return %arg0, %c0_i32 : i32, i32
  }
  func.func @transform_5(%arg0: i32) -> (i32, i32) {
    %c0_i32 = arith.constant 0 : i32
    %c0_i32_0 = arith.constant 0 : i32
    %c0_i32_1 = arith.constant 0 : i32
    return %c0_i32, %c0_i32_0 : i32, i32
  }
  func.func @transform_6(%arg0: i32) -> (i32, i32) {
    %c0_i32 = arith.constant 0 : i32
    %c0_i32_0 = arith.constant 0 : i32
    %c0_i32_1 = arith.constant 0 : i32
    return %c0_i32, %c0_i32_0 : i32, i32
  }
  func.func @transform_7(%arg0: i32) -> (i32, i32) {
    %c0_i32 = arith.constant 0 : i32
    %c0_i32_0 = arith.constant 0 : i32
    %c0_i32_1 = arith.constant 0 : i32
    return %c0_i32, %c0_i32_0 : i32, i32
  }
  func.func @transform_8(%arg0: i32) -> (i32, i32) {
    %c0_i32 = arith.constant 0 : i32
    %c0_i32_0 = arith.constant 0 : i32
    %c0_i32_1 = arith.constant 0 : i32
    return %c0_i32, %c0_i32_0 : i32, i32
  }
  func.func @transform_9(%arg0: i32) -> (i32, i32) {
    %c0_i32 = arith.constant 0 : i32
    %c0_i32_0 = arith.constant 0 : i32
    return %arg0, %c0_i32 : i32, i32
  }
}

</mosaic_0001>

<sc_bundles>
// kernel: kernel.8.cloned.1.call-start
scs
__scs_entry_jumppad:
0x0: {  	(pc) =	sbr.rel $0x88, $3  }
0x1: {  	(tag) =	ssettag $0x0;
	lr =	simm.s32 $0x1  }
0x2: {  	[smem:$0x3F92] =	sst lr;
	_ =	strace $0xD0000000  }
0x3: {  	_ = 	snop  }
0x4: {  	_ = 	snop  }
0x5: {  	_ = 	snop  }
0x6: {  	_ = 	snop  }
0x7: {  	_ = 	snop  }
__scs_overlays_trampoline_lowered:
0x8: {  	[smem:$0x3FA1] =	sst s0  }
0x9: {  	[smem:$0x3FA2] =	sst s1  }
0xa: {  	[smem:$0x3FA3] =	sst s2  }
0xb: {  	[smem:$0x3FA4] =	sst s3  }
0xc: {  	[smem:$0x3FA5] =	sst s4  }
0xd: {  	[smem:$0x3FA6] =	sst s5  }
0xe: {  	[smem:$0x3FA7] =	sst s6  }
0xf: {  	[smem:$0x3FA8] =	sst s7  }
0x10: {  	[smem:$0x3FA9] =	sst s8  }
0x11: {  	[smem:$0x3FAA] =	sst s9;
	s0 =	simm.s32 @!p0 $0x0  }
0x12: {  	s1 =	sld [smem:$0x3F90];
	s0 =	simm.s32 @p0 $0x1  }
0x13: {  	[smem:$0x3FAB] =	sst s0;
	s0 =	simm.s32 @!p1 $0x0  }
0x14: {  	s2 =	sld [smem:$0x3F8F];
	s0 =	simm.s32 @p1 $0x1  }
0x15: {  	[smem:$0x3FAC] =	sst s0;
	s0 =	simm.s32 @!p2 $0x0  }
0x16: {  	s3 =	sld [smem:$0x3FDB];
	s0 =	simm.s32 @p2 $0x1  }
0x17: {  	s4 =	simm.s32 $0x1BF5;
	[smem:$0x3FAE] =	sst s0  }
0x18: {  	s0 =	sld [smem:$0x3F91];
	_ =	swait.ge [sflag:s4], $0x0  }
0x19: {  	s7 =	sld [smem:$0x3F92]  }
0x1a: {  	s8 =	sadd.s32 $0xFFFFE003, lr  }
0x1b: {  	s9 =	sadd.s32 $0xFFFFFEF7, lr;
	s5 =	simm.s32 $0xFFFFFFFF;
	p2 =	slt.u32 s8, $0xFFFFF086  }
0x1c: {  	p1 =	slt.u32 s9, $0xF7A;
	s5 =	simm.s32 @!p2 $0x0  }
0x1d: {  	s5 =	simm.s32 @p1 $0x1;
	p0 =	seq.s32 s7, s2  }
0x1e: {  	s7 =	smul.u32 @!p0 $0xF7A, s2;
	p2 =	seq.s32 @!p0 s5, $0x0  }
0x1f: {  	s9 =	smul.u32 $0xF7A, s1;
	s8 =	simm.s32 @!p0 $0x1BF5;
	p2 =	por !p2, p0  }
0x20: {  	[sflag:s8] =	ssyncset.s32 @!p0 $0xFFFFF086;
	s6 =	sadd.s32 @!p0 s3, s7;
	s7 =	simm.s32 @!p0 $0x108  }
0x21: {  	s3 =	sadd.s32 s3, s9;
	s6 =	sadd.s32 @!p0 $0x88, s6;
	s7 =	simm.s32 @p2 $0x1082  }
0x22: {  	[simem:s7], [sflag:s8] =	dma.local @!p0 [hbm:s6], $0xF7A  }
0x23: {  	s9 =	sor.u32 $0xD0000000, s2;
	s6 =	simm.s32 $0x108;
	_ =	swait.ge @!p0 [sflag:s8], $0x0  }
0x24: {  	s3 =	sadd.s32 $0x88, s3;
	s6 =	simm.s32 @!p1 $0x1082;
	[sflag:s4] =	ssyncset.s32 $0xFFFFF086  }
0x25: {  	[simem:s6], [sflag:s4] =	dma.local [hbm:s3], $0xF7A  }
0x26: {  	[smem:$0x3F92] =	sst s1;
	(tag) =	ssettag s2;
	_ =	strace s9  }
0x27: {  	s1 =	sld [smem:$0x3FA2]  }
0x28: {  	s2 =	sld [smem:$0x3FA3]  }
0x29: {  	s4 =	sld [smem:$0x3FA5]  }
0x2a: {  	p0 =	seq.s32 s5, $0x0;
	s5 =	sld [smem:$0x3FA6]  }
0x2b: {  	s6 =	sld [smem:$0x3FA7]  }
0x2c: {  	s7 =	sld [smem:$0x3FA8]  }
0x2d: {  	s3 =	simm.s32 $0x108;
	s8 =	sld [smem:$0x3FA9]  }
0x2e: {  	s3 =	simm.s32 @!p0 $0x1082;
	s9 =	sld [smem:$0x3FAA]  }
0x2f: {  	lr =	sadd.s32 s0, s3;
	s0 =	sld [smem:$0x3FA1]  }
0x30: {  	s3 =	sld [smem:$0x3FA4]  }
0x31: {  	[smem:$0x3FAD] =	sst s10  }
0x32: {  	s10 =	sld [smem:$0x3FAB];
	_ =	sdelay $0x3  }
0x33: {  	p0 =	seq.s32 s10, $0x1;
	s10 =	sld [smem:$0x3FAD];
	_ =	sdelay $0x3  }
0x34: {  	[smem:$0x3FAD] =	sst s10  }
0x35: {  	s10 =	sld [smem:$0x3FAC];
	_ =	sdelay $0x3  }
0x36: {  	p1 =	seq.s32 s10, $0x1;
	s10 =	sld [smem:$0x3FAD];
	_ =	sdelay $0x3  }
0x37: {  	[smem:$0x3FAD] =	sst s10  }
0x38: {  	s10 =	sld [smem:$0x3FAE]  }
0x39: {  	_ = 	snop;
	(pc) =	sbr.ind lr, $3  }
0x3a: {  	_ = 	snop  }
0x3b: {  	_ = 	snop  }
0x3c: {  	p2 =	seq.s32 s10, $0x1;
	s10 =	sld [smem:$0x3FAD]  }
0x3d: {  	_ =	shalt  }
0x3e: {  	_ =	shalt  }
0x3f: {  	_ =	shalt  }
0x40: {  	_ =	shalt  }
0x41: {  	_ =	shalt  }
0x42: {  	_ =	shalt  }
0x43: {  	_ =	shalt  }
0x44: {  	_ =	shalt  }
0x45: {  	_ =	shalt  }
0x46: {  	_ =	shalt  }
0x47: {  	_ =	shalt  }
0x48: {  	_ =	shalt  }
0x49: {  	_ =	shalt  }
0x4a: {  	_ =	shalt  }
0x4b: {  	_ =	shalt  }
0x4c: {  	_ =	shalt  }
0x4d: {  	_ =	shalt  }
0x4e: {  	_ =	shalt  }
0x4f: {  	_ =	shalt  }
0x50: {  	_ =	shalt  }
0x51: {  	_ =	shalt  }
0x52: {  	_ =	shalt  }
0x53: {  	_ =	shalt  }
0x54: {  	_ =	shalt  }
0x55: {  	_ =	shalt  }
0x56: {  	_ =	shalt  }
0x57: {  	_ =	shalt  }
0x58: {  	_ =	shalt  }
0x59: {  	_ =	shalt  }
0x5a: {  	_ =	shalt  }
0x5b: {  	_ =	shalt  }
0x5c: {  	_ =	shalt  }
0x5d: {  	_ =	shalt  }
0x5e: {  	_ =	shalt  }
0x5f: {  	_ =	shalt  }
0x60: {  	_ =	shalt  }
0x61: {  	_ =	shalt  }
0x62: {  	_ =	shalt  }
0x63: {  	_ =	shalt  }
0x64: {  	_ =	shalt  }
0x65: {  	_ =	shalt  }
0x66: {  	_ =	shalt  }
0x67: {  	_ =	shalt  }
0x68: {  	_ =	shalt  }
0x69: {  	_ =	shalt  }
0x6a: {  	_ =	shalt  }
0x6b: {  	_ =	shalt  }
0x6c: {  	_ =	shalt  }
0x6d: {  	_ =	shalt  }
0x6e: {  	_ =	shalt  }
0x6f: {  	_ =	shalt  }
0x70: {  	_ =	shalt  }
0x71: {  	_ =	shalt  }
0x72: {  	_ =	shalt  }
0x73: {  	_ =	shalt  }
0x74: {  	_ =	shalt  }
0x75: {  	_ =	shalt  }
0x76: {  	_ =	shalt  }
0x77: {  	_ =	shalt  }
0x78: {  	_ =	shalt  }
0x79: {  	_ =	shalt  }
0x7a: {  	_ =	shalt  }
0x7b: {  	_ =	shalt  }
0x7c: {  	_ =	shalt  }
0x7d: {  	_ =	shalt  }
0x7e: {  	_ =	shalt  }
0x7f: {  	_ =	shalt  }
0x80: {  	_ =	shalt  }
0x81: {  	_ =	shalt  }
0x82: {  	_ =	shalt  }
0x83: {  	_ =	shalt  }
0x84: {  	_ =	shalt  }
0x85: {  	_ =	shalt  }
0x86: {  	_ =	shalt  }
0x87: {  	_ =	shalt  }
.Lfunc_end0:
.L_simem_size_0:
called_computation_lowered:
.L_overlay_start_0:
0x88: {  	s2 =	sld [smem:$0x3FD9]  }
0x89: {  	s3 =	sld [smem:$0x3FFE];
	_ =	sdelay $0x1  }
0x8a: {  	s1 =	srdreg.scid  }
0x8b: {  	s0 =	sand.u32 $0x1, s1  }
0x8c: {  	s14 =	sshll.u32 s0, $0xA;
	s2 =	sadd.s32 s3, s2  }
0x8d: {  	s2 =	sadd.s32 s2, s14  }
0x8e: {  	[smem:$0x3FB9] =	sst s2  }
0x8f: {  	_ = 	snop  }
0x90: {  	s2 =	sld [smem:$0x3FD0];
	_ =	sdelay $0x2  }
0x91: {  	s4 =	simm.s32 $0xA;
	s5 =	simm.s32 $0x10;
	s15 =	sld [smem:$0x3FC9]  }
0x92: {  	[smem:s5], [sflag:s4] =	dma.local [hbm:s2], $0x1  }
0x93: {  	_ =	swait.eq [sflag:s4], $0x1  }
0x94: {  	s16 =	sld [smem:$0x10];
	[sflag:s4] =	ssyncset.done $0x0  }
0x95: {  	s17 =	sld [smem:$0x11];
	[sflag:s4] =	ssyncadd.s32 $0xFFFFFFFF  }
0x96: {  	s18 =	sld [smem:$0x12];
	(tm) =	ssettm $0x1  }
0x97: {  	s6 =	sld [smem:$0x3FFB];
	_ =	sdelay $0x3  }
0x98: {  	_ =	strace s6  }
0x99: {  	s6 =	sld [smem:$0x3FFC];
	_ =	sdelay $0x3  }
0x9a: {  	_ =	strace s6  }
0x9b: {  	s6 =	sld [smem:$0x3FFD];
	_ =	sdelay $0x3  }
0x9c: {  	_ =	strace s6  }
0x9d: {  	_ =	strace $0x8FFFFFFF  }
0x9e: {  	s19 =	sld [smem:$0x3FDB];
	_ =	sdelay $0x1  }
0x9f: {  	s7 =	simm.s32 $_scs_section_size  }
0xa0: {  	s8 =	simm.s32 $_size__tile_overlayer_lowered;
	s9 =	simm.s32 $_tile_overlayer_lowered  }
0xa1: {  	s22 =	simm.s32 $0x1BFF;
	s21 =	sshll.u32 s9, $0x1;
	s6 =	sadd.s32 s7, s19  }
0xa2: {  	s10 =	simm.s32 $0x0;
	s20 =	sshll.u32 s8, $0x1;
	s8 =	sadd.s32 s21, s6  }
0xa3: {  	[timem:s10], [sflag:s22] =	dma.local [hbm:s8], s20  }
0xa4: {  	_ =	swait.ge [sflag:s22], s20  }
0xa5: {  	s7 =	ssub.s32 $0x0, s20;
	[sflag:s22] =	ssyncset.done $0x0  }
0xa6: {  	[sflag:s22] =	ssyncadd.s32 s7;
	_ =	sdelay $0x1  }
0xa7: {  	s23 =	simm.s32 $0x1B8B  }
0xa8: {  	_ =	swait.ge [sflag:s23], $0x1  }
0xa9: {  	[sflag:s23] =	ssyncset.done $0x0  }
0xaa: {  	s25 =	simm.s32 $0x1B8E;
	s24 =	sld [smem:$0x3FFE];
	[sflag:s23] =	ssyncadd.s32 $0xFFFFFFFF  }
0xab: {  	s26 =	simm.s32 $execute0_lowered;
	[smem:$0x3FD2] =	sst s25  }
0xac: {  	s8 =	sshll.u32 s26, $0x1;
	_ =	strace $0x80000046;
	[dreg:$0x1] =	wrdreg $0xFFFFFFFF  }
0xad: {  	s28 =	simm.s32 $_size_execute0_lowered;
	s6 =	sadd.s32 s6, s8;
	[dreg:$0x0] =	wrdreg $0x0  }
0xae: {  	s8 =	sshll.u32 s28, $0x1;
	[dreg:$0x2] =	wrdreg s6  }
0xaf: {  	[dreg:$0x3] =	wrdreg s8  }
0xb0: {  	[dreg:$0x4] =	wrdreg $0xC0  }
0xb1: {  	_ =	task [dreg:s10], $0x5FFFF  }
0xb2: {  	[dreg:$0x1] =	wrdreg $0xFFFFFFFF  }
0xb3: {  	[dreg:$0x0] =	wrdreg $0x60  }
0xb4: {  	[dreg:$0x2] =	wrdreg s24  }
0xb5: {  	[dreg:$0x3] =	wrdreg s17  }
0xb6: {  	[dreg:$0x4] =	wrdreg s18  }
0xb7: {  	[dreg:$0x5] =	wrdreg s15  }
0xb8: {  	[dreg:$0x6] =	wrdreg s16  }
0xb9: {  	[dreg:$0x7] =	wrdreg $0xFE000  }
0xba: {  	[dreg:$0x8] =	wrdreg $0x9  }
0xbb: {  	_ =	task.clear_ibuf [dreg:s10], $0x9FFFF;
	_ =	strace $0x90000046  }
0xbc: {  	s29 =	simm.s32 $0x9;
	_ =	strace $0x80000048  }
0xbd: {  	_ =	swait.ge [sflag:s29], $0x1  }
0xbe: {  	[sflag:s29] =	ssyncadd.s32 $0xFFFFFFFF  }
0xbf: {  	_ =	strace $0x90000048  }
0xc0: {  	_ =	sfence  }
0xc1: {  	s30 =	sld [smem:$0x0];
	_ =	sdelay $0x2  }
0xc2: {  	s31 =	sshll.u32 s1, $0xD;
	s1 =	sshrl.u32 s1, $0x2  }
0xc3: {  	s3 =	sand.u32 $0x4000, s31;
	s1 =	sadd.s32 s1, s30  }
0xc4: {  	s0 =	sor.u32 s3, s0;
	s1 =	sshll.u32 s1, $0x11  }
0xc5: {  	s0 =	sor.u32 s1, s0  }
0xc6: {  	s0 =	sadd.s32 $0x8F2B, s0  }
0xc7: {  	[sflag:s0] =	ssyncadd.remote.s32 $0x1  }
0xc8: {  	_ =	sfence.sel $0xFFFF  }
0xc9: {  	[dreg:$0x0] =	wrdreg $0xFFFFFFFF;
	(pc) =	sbr.abs _section_cstart, $3  }
0xca: {  	[dreg:$0x1] =	wrdreg $0xFFFFFFFF  }
0xcb: {  	_ =	task.clear_ibuf [dreg:s10], $0x2FFFF;
	_ =	strace $0x9FFFFFFF  }
0xcc: {  	(tm) =	ssettm $0x7FFFFFFF  }
0xcd: {  	_ =	shalt  }
tec
execute0_lowered:
.L_overlay_start_1:
0x0: {  	(tag) =	ssettag $0x1  }
0x1: {  	s0 =	rddreg [dreg:$0x0]  }
0x2: {  	s1 =	rddreg [dreg:$0x1]  }
0x3: {  	s2 =	rddreg [dreg:$0x2]  }
0x4: {  	s4 =	rddreg [dreg:$0x4]  }
0x5: {  	s3 =	rddreg [dreg:$0x5]  }
0x6: {  	s13 =	stileid.u32;
	s6 =	simm.s32 $0x0;
	s24 =	srdreg.scid  }
0x7: {  	s5 =	smul.u32 $0x410, s13;
	[smem:$0x7FF] =	sst s6  }
0x8: {  	s9 =	sand.u32 $0x1, s24;
	s25 =	sadd.s32 $0x1A00, s0;
	s7 =	sshll.u32 s13, $0x7  }
0x9: {  	s6 =	sadd.s32 $0x10A000, s0;
	s15 =	sshll.u32 s13, $0x10;
	s21 =	sshll.u32 s13, $0xD  }
0xa: {  	_ =	strace $0x80000047;
	[dreg:$0x7] =	wrdreg s25;
	s10 =	sshll.u32 s9, $0x6  }
0xb: {  	s11 =	ssub.s32 $0x2, s9;
	p0 =	seq.s32 s9, $0x0;
	[dreg:$0x13] =	wrdreg s21  }
0xc: {  	s21 =	simm.s32 $0x80;
	s8 =	sadd.s32 s5, s0;
	s10 =	sor.u32 s10, s7  }
0xd: {  	s7 =	sadd.s32 $0xA000, s0;
	s26 =	sshrl.u32 s11, $0x1;
	s1 =	sadd.s32 s1, s5  }
0xe: {  	s12 =	sshrl.u32 s10, $0x3;
	s0 =	ssub.s32 s11, s26;
	s11 =	sadd.s32 $0x1C00, s8  }
0xf: {  	s14 =	sadd.s32 $0x5E00, s8;
	s8 =	simm.s32 $0xDD80;
	s2 =	sadd.s32 s2, s12  }
0x10: {  	s12 =	sshll.u32 s10, $0x5;
	[dreg:$0xa] =	wrdreg s14;
	s0 =	smax.u32 s0, $0x1  }
0x11: {  	[dreg:$0x8] =	wrdreg s2;
	s2 =	sadd.s32 s4, s12;
	s12 =	sadd.s32 s15, s3  }
0x12: {  	[dreg:$0xc] =	wrdreg s0;
	s0 =	smov.u32 s1;
	s15 =	simm.s32 $0x1  }
0x13: {  	s16 =	sadd.s32 $0x200, s2;
	s17 =	sadd.s32 $0x400, s2;
	[dreg:$0xb] =	wrdreg s2  }
0x14: {  	s18 =	sadd.s32 $0x600, s2;
	s19 =	sadd.s32 $0x2000, s12;
	s20 =	sadd.s32 $0x3000, s12  }
0x15: {  	s22 =	sadd.s32 $0x5000, s12;
	s23 =	sadd.s32 $0x6000, s12;
	s0 =	smov.u32 @p0 s11  }
0x16: {  	s11 =	smov.u32 @p0 s1;
	s24 =	sadd.s32 $0x7000, s12;
	p0 =	sne.s32 s9, $0x0  }
0x17: {  	s25 =	sadd.s32 $0x8000, s12;
	s26 =	sadd.s32 $0x9000, s12;
	[dreg:$0xd] =	wrdreg s16  }
0x18: {  	s28 =	sadd.s32 $0xA000, s12;
	s29 =	sadd.s32 $0xB000, s12;
	[dreg:$0xe] =	wrdreg s17  }
.Ltmp0:
0x19: {  	s30 =	sadd.s32 $0xC000, s12;
	[dreg:$0xf] =	wrdreg s18;
	(pc) =	sbr.rel .LBB2_1-.Ltmp0, $4  }
0x1a: {  	s31 =	sadd.s32 $0xD000, s12;
	s5 =	sadd.s32 $0xF000, s12;
	[dreg:$0x10] =	wrdreg s19  }
0x1b: {  	v2 =	vlaneseq.u32;
	s9 =	simm.s32 $0x10;
	s2 =	simm.s32 $0x0;
	[dreg:$0x11] =	wrdreg s20  }
0x1c: {  	vm0 =	vmmov $0xffff;
	v3 =	vimm.f32 $0.0e+00;
	v1 =	vshrl.u32 v2, $0x3;
	s17 =	sadd.s32 $0x1000, s12;
	s20 =	sadd.s32 $0x4000, s12;
	[dreg:$0x12] =	wrdreg s0  }
0x1d: {  	v0 =	vand.u32 $0x7, v2;
	v2 =	vor.u32 $0x8, v2;
	v1 =	vmul.u32 $0x8, v1;
	[dreg:$0x9] =	wrdreg s11;
	s0 =	sadd.s32 $0xE000, s12;
	s16 =	simm.s32 $0x6180  }
.LBB2_20:
0x1e: {  	s2 =	rddreg [dreg:$0x14]  }
0x1f: {  	s1 =	rddreg [dreg:$0xc];
	s2 =	sadd.s32 $0x1, s2  }
0x20: {  	p1 =	sne.s32 s2, s1  }
.Ltmp1:
0x21: {  	_ = 	snop;
	(pc) =	sbr.rel @!p1 .LBB2_21-.Ltmp1, $1  }
0x22: {  	_ =	sdelay $0x3  }
.LBB2_1:
0x23: {  	[dreg:$0x14] =	wrdreg s2;
	s2 =	simm.s32 $0x0  }
0x24: {  	s1 =	rddreg [dreg:$0x8];
	s4 =	simm.s32 $0xED80;
	s10 =	simm.s32 $0x2  }
0x25: {  	[tilespmem:s4], [sflag:$0x2] =	stream.linear.gather [hbm4b:s1+s2], $0x40, $0x38;
	[tilespmem:$0x1FE00] =	vst v63  }
0x26: {  	_ =	swait.ge [sflag:s10], $0x40  }
0x27: {  	[sflag:s10] =	ssyncset.done $0x0  }
0x28: {  	[sflag:s10] =	ssyncadd.s32 $0xFFFFFFC0  }
0x29: {  	v4 =	vld [tilespmem:$0xED80];
	_ =	sdelay $0x4  }
0x2a: {  	v5 =	vshll.u32 v4, $0x1  }
0x2b: {  	v4 =	vand.u32 $0x7, v4;
	v5 =	vand.u32 $0xFFFFFFF0, v5  }
0x2c: {  	v4 =	vor.u32 v4, v5  }
0x2d: {  	v5 =	vperm.xlane v4, v0;
	_ =	sdelay $0x1  }
0x2e: {  	v4 =	vperm.xlane v4, v2;
	v5 =	vadd.s32 v1, v5;
	_ =	sdelay $0x1  }
0x2f: {  	v4 =	vadd.s32 v1, v4;
	_ =	sdelay $0x1  }
0x30: {  	s11 =	simm.s32 $0xEE00;
	s1 =	rddreg [dreg:$0x3]  }
0x31: {  	[tilespmem:s11], [sflag:$0x1] =	stream.indirect_vreg.gather [hbm4b:s1+s2], $0x80, v5, vm0, $0xb8;
	[tilespmem:$0x1FE00] =	vst v63  }
0x32: {  	s13 =	simm.s32 $0xF600  }
0x33: {  	[tilespmem:s13], [sflag:$0x1] =	stream.indirect_vreg.gather [hbm4b:s1+s2], $0x80, v4, vm0, $0xb8;
	[tilespmem:$0x1FE00] =	vst v63  }
0x34: {  	_ =	swait.ge [sflag:s15], $0x1000  }
0x35: {  	[sflag:s15] =	ssyncset.done $0x0  }
0x36: {  	s19 =	rddreg [dreg:$0xb];
	[sflag:s15] =	ssyncadd.s32 $0xFFFFF000  }
0x37: {  	[hbm4b:s19+s2] =	stream.linear.scatter [tilespmem:s11], [sflag:$0x2], $0x1000, $0x38;
	[tilespmem:$0x1FE00] =	vst v63  }
0x38: {  	_ =	swait.ge [sflag:s10], $0x1000  }
0x39: {  	[sflag:s10] =	ssyncset.done $0x0  }
0x3a: {  	[sflag:s10] =	ssyncadd.s32 $0xFFFFF000  }
0x3b: {  	v4 =	vld [tilespmem:$0xED90];
	_ =	sdelay $0x4  }
0x3c: {  	v5 =	vshll.u32 v4, $0x1  }
0x3d: {  	v4 =	vand.u32 $0x7, v4;
	v5 =	vand.u32 $0xFFFFFFF0, v5  }
0x3e: {  	v4 =	vor.u32 v4, v5  }
0x3f: {  	v5 =	vperm.xlane v4, v0;
	_ =	sdelay $0x1  }
0x40: {  	v4 =	vperm.xlane v4, v2;
	v5 =	vadd.s32 v1, v5;
	_ =	sdelay $0x1  }
0x41: {  	v4 =	vadd.s32 v1, v4;
	_ =	sdelay $0x2  }
0x42: {  	[tilespmem:s11], [sflag:$0x1] =	stream.indirect_vreg.gather [hbm4b:s1+s2], $0x80, v5, vm0, $0xb8;
	[tilespmem:$0x1FE00] =	vst v63  }
0x43: {  	_ = 	snop  }
0x44: {  	[tilespmem:s13], [sflag:$0x1] =	stream.indirect_vreg.gather [hbm4b:s1+s2], $0x80, v4, vm0, $0xb8;
	[tilespmem:$0x1FE00] =	vst v63  }
0x45: {  	_ =	swait.ge [sflag:s15], $0x1000  }
0x46: {  	[sflag:s15] =	ssyncset.done $0x0  }
0x47: {  	s14 =	rddreg [dreg:$0xd];
	[sflag:s15] =	ssyncadd.s32 $0xFFFFF000  }
0x48: {  	[hbm4b:s14+s2] =	stream.linear.scatter [tilespmem:s11], [sflag:$0x2], $0x1000, $0x38;
	[tilespmem:$0x1FE00] =	vst v63  }
0x49: {  	_ =	swait.ge [sflag:s10], $0x1000  }
0x4a: {  	[sflag:s10] =	ssyncset.done $0x0  }
0x4b: {  	[sflag:s10] =	ssyncadd.s32 $0xFFFFF000  }
0x4c: {  	v4 =	vld [tilespmem:$0xEDA0];
	_ =	sdelay $0x4  }
0x4d: {  	v5 =	vshll.u32 v4, $0x1  }
0x4e: {  	v4 =	vand.u32 $0x7, v4;
	v5 =	vand.u32 $0xFFFFFFF0, v5  }
0x4f: {  	v4 =	vor.u32 v4, v5  }
0x50: {  	v5 =	vperm.xlane v4, v0;
	_ =	sdelay $0x1  }
0x51: {  	v4 =	vperm.xlane v4, v2;
	v5 =	vadd.s32 v1, v5;
	_ =	sdelay $0x1  }
0x52: {  	v4 =	vadd.s32 v1, v4;
	_ =	sdelay $0x2  }
0x53: {  	[tilespmem:s11], [sflag:$0x1] =	stream.indirect_vreg.gather [hbm4b:s1+s2], $0x80, v5, vm0, $0xb8;
	[tilespmem:$0x1FE00] =	vst v63  }
0x54: {  	_ = 	snop  }
0x55: {  	[tilespmem:s13], [sflag:$0x1] =	stream.indirect_vreg.gather [hbm4b:s1+s2], $0x80, v4, vm0, $0xb8;
	[tilespmem:$0x1FE00] =	vst v63  }
0x56: {  	_ =	swait.ge [sflag:s15], $0x1000  }
0x57: {  	[sflag:s15] =	ssyncset.done $0x0  }
0x58: {  	s18 =	rddreg [dreg:$0xe];
	[sflag:s15] =	ssyncadd.s32 $0xFFFFF000  }
0x59: {  	[hbm4b:s18+s2] =	stream.linear.scatter [tilespmem:s11], [sflag:$0x2], $0x1000, $0x38;
	[tilespmem:$0x1FE00] =	vst v63  }
0x5a: {  	_ =	swait.ge [sflag:s10], $0x1000  }
0x5b: {  	[sflag:s10] =	ssyncset.done $0x0  }
0x5c: {  	[sflag:s10] =	ssyncadd.s32 $0xFFFFF000  }
0x5d: {  	v4 =	vld [tilespmem:$0xEDB0];
	_ =	sdelay $0x4  }
0x5e: {  	v5 =	vshll.u32 v4, $0x1  }
0x5f: {  	v4 =	vand.u32 $0x7, v4;
	v5 =	vand.u32 $0xFFFFFFF0, v5  }
0x60: {  	v4 =	vor.u32 v4, v5  }
0x61: {  	v5 =	vperm.xlane v4, v0;
	_ =	sdelay $0x1  }
0x62: {  	v4 =	vperm.xlane v4, v2;
	v5 =	vadd.s32 v1, v5;
	_ =	sdelay $0x1  }
0x63: {  	v4 =	vadd.s32 v1, v4;
	_ =	sdelay $0x2  }
0x64: {  	[tilespmem:s11], [sflag:$0x1] =	stream.indirect_vreg.gather [hbm4b:s1+s2], $0x80, v5, vm0, $0xb8;
	[tilespmem:$0x1FE00] =	vst v63  }
0x65: {  	_ = 	snop  }
0x66: {  	[tilespmem:s13], [sflag:$0x1] =	stream.indirect_vreg.gather [hbm4b:s1+s2], $0x80, v4, vm0, $0xb8;
	[tilespmem:$0x1FE00] =	vst v63  }
0x67: {  	_ =	swait.ge [sflag:s15], $0x1000  }
0x68: {  	[sflag:s15] =	ssyncset.done $0x0  }
0x69: {  	s19 =	rddreg [dreg:$0xf];
	[sflag:s15] =	ssyncadd.s32 $0xFFFFF000  }
0x6a: {  	[hbm4b:s19+s2] =	stream.linear.scatter [tilespmem:s11], [sflag:$0x2], $0x1000, $0x38;
	[tilespmem:$0x1FE00] =	vst v63  }
0x6b: {  	_ =	swait.ge [sflag:s10], $0x1000  }
0x6c: {  	[sflag:s10] =	ssyncset.done $0x0  }
0x6d: {  	s4 =	rddreg [dreg:$0x12];
	[sflag:s10] =	ssyncadd.s32 $0xFFFFF000  }
0x6e: {  	[tilespmem:s2], [sflag:$0x2] =	stream.linear.gather [hbm4b:s4+s2], $0x2080, $0x38;
	[tilespmem:$0x1FE00] =	vst v63  }
0x6f: {  	_ =	swait.ge [sflag:s10], $0x2080  }
0x70: {  	[sflag:s10] =	ssyncset.done $0x0  }
0x71: {  	s13 =	simm.s32 $0x2080;
	s11 =	rddreg [dreg:$0x9];
	[sflag:s10] =	ssyncadd.s32 $0xFFFFDF80  }
0x72: {  	[tilespmem:s13], [sflag:$0x2] =	stream.linear.gather [hbm4b:s11+s2], $0x2080, $0x38;
	[tilespmem:$0x1FE00] =	vst v63  }
0x73: {  	_ =	swait.ge [sflag:s10], $0x2080  }
0x74: {  	[sflag:s10] =	ssyncset.done $0x0  }
0x75: {  	s18 =	simm.s32 $0x4100;
	s14 =	rddreg [dreg:$0xa];
	[sflag:s10] =	ssyncadd.s32 $0xFFFFDF80  }
0x76: {  	[tilespmem:s18], [sflag:$0x2] =	stream.linear.gather [hbm4b:s14+s2], $0x2080, $0x38;
	[tilespmem:$0x1FE00] =	vst v63  }
0x77: {  	_ =	swait.ge [sflag:s10], $0x2080  }
0x78: {  	[sflag:s10] =	ssyncset.done $0x0  }
0x79: {  	s19 =	rddreg [dreg:$0x7];
	[sflag:s10] =	ssyncadd.s32 $0xFFFFDF80  }
0x7a: {  	[tilespmem:s16], [sflag:$0x2] =	stream.linear.gather [hbm4b:s19+s2], $0x1000, $0x38;
	[tilespmem:$0x1FE00] =	vst v63  }
0x7b: {  	_ =	swait.ge [sflag:s10], $0x1000  }
0x7c: {  	[sflag:s10] =	ssyncset.done $0x0  }
0x7d: {  	s1 =	simm.s32 $0x0;
	s2 =	simm.s32 $0x40;
	[sflag:s10] =	ssyncadd.s32 $0xFFFFF000  }
.LBB2_2:
0x7e: {  	p1 =	sne.s32 s2, $0x3FC0;
	[tilespmem:s1+$0xDD80] =	vst v3;
	s1 =	smov.u32 s2;
	s2 =	sadd.s32 $0x40, s2  }
.Ltmp2:
0x7f: {  	(pc) =	sbr.rel @p1 .LBB2_2-.Ltmp2, $2  }
0x80: {  	_ =	sdelay $0x2  }
0x81: {  	s1 =	sshra.s32 s1, $0x2  }
0x82: {  	[tilespmem:s1+$0xDD80] =	vst v3;
	s2 =	simm.s32 $0x0  }
0x83: {  	v4 =	vld [tilespmem:s2+$0x0];
	_ =	sdelay $0x7  }
0x84: {  	v4 =	vld.idx.msk [tilespmem:v4+s16+$0x0], $0xffff  }
0x85: {  	v5 =	vld [tilespmem:s2+$0x10]  }
0x86: {  	v6 =	vld [tilespmem:s2+$0x2080];
	_ =	sdelay $0x2  }
0x87: {  	v7 =	vshll.u32 v4, $0xC  }
0x88: {  	v7 =	vand.u32 $0xFF000, v7  }
0x89: {  	[tilespmem:s2+$0x9580] =	vst v4;
	v4 =	vadd.s32 v6, v7  }
0x8a: {  	[tilespmem:s2+$0x7180] =	vst v4  }
0x8b: {  	v4 =	vld.idx.msk [tilespmem:v5+s16+$0x0], $0xffff  }
0x8c: {  	v5 =	vld [tilespmem:s2+$0x20]  }
0x8d: {  	v6 =	vld [tilespmem:s2+$0x2090];
	_ =	sdelay $0x2  }
0x8e: {  	v7 =	vshll.u32 v4, $0xC  }
0x8f: {  	v7 =	vand.u32 $0xFF000, v7  }
0x90: {  	[tilespmem:s2+$0x9590] =	vst v4;
	v4 =	vadd.s32 v6, v7  }
0x91: {  	[tilespmem:s2+$0x7190] =	vst v4  }
0x92: {  	v4 =	vld.idx.msk [tilespmem:v5+s16+$0x0], $0xffff  }
0x93: {  	v5 =	vld [tilespmem:s2+$0x30]  }
0x94: {  	v6 =	vld [tilespmem:s2+$0x20A0];
	_ =	sdelay $0x2  }
0x95: {  	v7 =	vshll.u32 v4, $0xC  }
0x96: {  	v7 =	vand.u32 $0xFF000, v7  }
0x97: {  	[tilespmem:s2+$0x95A0] =	vst v4;
	v6 =	vadd.s32 v6, v7  }
0x98: {  	[tilespmem:s2+$0x71A0] =	vst v6  }
0x99: {  	v4 =	vld.idx.msk [tilespmem:v5+s16+$0x0], $0xffff  }
0x9a: {  	v5 =	vld [tilespmem:s2+$0x40]  }
0x9b: {  	v6 =	vld [tilespmem:s2+$0x20B0];
	_ =	sdelay $0x2  }
0x9c: {  	v7 =	vshll.u32 v4, $0xC  }
0x9d: {  	v7 =	vand.u32 $0xFF000, v7  }
0x9e: {  	[tilespmem:s2+$0x95B0] =	vst v4;
	v6 =	vadd.s32 v6, v7  }
0x9f: {  	[tilespmem:s2+$0x71B0] =	vst v6  }
0xa0: {  	v4 =	vld.idx.msk [tilespmem:v5+s16+$0x0], $0xffff  }
0xa1: {  	v5 =	vld [tilespmem:s2+$0x50]  }
0xa2: {  	v6 =	vld [tilespmem:s2+$0x20C0];
	_ =	sdelay $0x2  }
0xa3: {  	v7 =	vshll.u32 v4, $0xC  }
0xa4: {  	v7 =	vand.u32 $0xFF000, v7  }
0xa5: {  	[tilespmem:s2+$0x95C0] =	vst v4;
	v6 =	vadd.s32 v6, v7  }
0xa6: {  	[tilespmem:s2+$0x71C0] =	vst v6  }
0xa7: {  	v4 =	vld.idx.msk [tilespmem:v5+s16+$0x0], $0xffff  }
0xa8: {  	v5 =	vld [tilespmem:s2+$0x60]  }
0xa9: {  	v6 =	vld [tilespmem:s2+$0x20D0];
	_ =	sdelay $0x2  }
0xaa: {  	v7 =	vshll.u32 v4, $0xC  }
0xab: {  	v7 =	vand.u32 $0xFF000, v7  }
0xac: {  	[tilespmem:s2+$0x95D0] =	vst v4;
	v6 =	vadd.s32 v6, v7  }
0xad: {  	[tilespmem:s2+$0x71D0] =	vst v6  }
0xae: {  	v6 =	vld.idx.msk [tilespmem:v5+s16+$0x0], $0xffff  }
0xaf: {  	v4 =	vld [tilespmem:s2+$0x70]  }
0xb0: {  	v5 =	vld [tilespmem:s2+$0x20E0];
	_ =	sdelay $0x2  }
0xb1: {  	v7 =	vshll.u32 v6, $0xC  }
0xb2: {  	v7 =	vand.u32 $0xFF000, v7  }
0xb3: {  	s14 =	simm.s32 $0x0;
	s13 =	simm.s32 $0x200;
	s11 =	simm.s32 $0x400;
	[tilespmem:s2+$0x95E0] =	vst v6;
	v5 =	vadd.s32 v5, v7  }
.LBB2_4:
0xb4: {  	p1 =	sne.s32 s11, $0x8000;
	[tilespmem:s2+$0x71E0] =	vst v5  }
0xb5: {  	v4 =	vld.idx.msk [tilespmem:v4+s16+$0x0], $0xffff  }
0xb6: {  	s1 =	sshra.s32 s13, $0x2;
	s13 =	smov.u32 s11  }
0xb7: {  	v5 =	vld [tilespmem:s1+$0x0]  }
0xb8: {  	v6 =	vld [tilespmem:s2+$0x20F0];
	_ =	sdelay $0x2  }
0xb9: {  	v7 =	vshll.u32 v4, $0xC;
	[tilespmem:s2+$0x95F0] =	vst v4  }
0xba: {  	v4 =	vand.u32 $0xFF000, v7  }
0xbb: {  	v4 =	vadd.s32 v6, v4  }
0xbc: {  	[tilespmem:s2+$0x71F0] =	vst v4;
	s2 =	smov.u32 s1  }
0xbd: {  	v4 =	vld.idx.msk [tilespmem:v5+s16+$0x0], $0xffff;
	_ =	sdelay $0x1  }
0xbe: {  	v5 =	vld [tilespmem:s2+$0x10]  }
0xbf: {  	v6 =	vld [tilespmem:s2+$0x2080];
	_ =	sdelay $0x2  }
0xc0: {  	v7 =	vshll.u32 v4, $0xC;
	[tilespmem:s2+$0x9580] =	vst v4  }
0xc1: {  	v4 =	vand.u32 $0xFF000, v7  }
0xc2: {  	v4 =	vadd.s32 v6, v4  }
0xc3: {  	[tilespmem:s2+$0x7180] =	vst v4  }
0xc4: {  	v4 =	vld.idx.msk [tilespmem:v5+s16+$0x0], $0xffff;
	_ =	sdelay $0x1  }
0xc5: {  	v5 =	vld [tilespmem:s2+$0x20]  }
0xc6: {  	v6 =	vld [tilespmem:s2+$0x2090];
	_ =	sdelay $0x2  }
0xc7: {  	v7 =	vshll.u32 v4, $0xC;
	[tilespmem:s2+$0x9590] =	vst v4  }
0xc8: {  	v4 =	vand.u32 $0xFF000, v7  }
0xc9: {  	v4 =	vadd.s32 v6, v4  }
0xca: {  	[tilespmem:s2+$0x7190] =	vst v4  }
0xcb: {  	v4 =	vld.idx.msk [tilespmem:v5+s16+$0x0], $0xffff;
	_ =	sdelay $0x1  }
0xcc: {  	v5 =	vld [tilespmem:s2+$0x30]  }
0xcd: {  	v6 =	vld [tilespmem:s2+$0x20A0];
	_ =	sdelay $0x2  }
0xce: {  	v7 =	vshll.u32 v4, $0xC  }
0xcf: {  	v7 =	vand.u32 $0xFF000, v7  }
0xd0: {  	v6 =	vadd.s32 v6, v7;
	[tilespmem:s2+$0x95A0] =	vst v4  }
0xd1: {  	[tilespmem:s2+$0x71A0] =	vst v6  }
0xd2: {  	v4 =	vld.idx.msk [tilespmem:v5+s16+$0x0], $0xffff;
	_ =	sdelay $0x1  }
0xd3: {  	v5 =	vld [tilespmem:s2+$0x40]  }
0xd4: {  	v6 =	vld [tilespmem:s2+$0x20B0];
	_ =	sdelay $0x2  }
0xd5: {  	v7 =	vshll.u32 v4, $0xC  }
0xd6: {  	v7 =	vand.u32 $0xFF000, v7  }
0xd7: {  	v6 =	vadd.s32 v6, v7;
	[tilespmem:s2+$0x95B0] =	vst v4  }
0xd8: {  	[tilespmem:s2+$0x71B0] =	vst v6  }
0xd9: {  	v4 =	vld.idx.msk [tilespmem:v5+s16+$0x0], $0xffff;
	_ =	sdelay $0x1  }
0xda: {  	v5 =	vld [tilespmem:s2+$0x50]  }
0xdb: {  	v6 =	vld [tilespmem:s2+$0x20C0];
	_ =	sdelay $0x2  }
0xdc: {  	v7 =	vshll.u32 v4, $0xC  }
0xdd: {  	v7 =	vand.u32 $0xFF000, v7  }
0xde: {  	v6 =	vadd.s32 v6, v7;
	[tilespmem:s2+$0x95C0] =	vst v4  }
0xdf: {  	[tilespmem:s2+$0x71C0] =	vst v6  }
0xe0: {  	v4 =	vld.idx.msk [tilespmem:v5+s16+$0x0], $0xffff;
	_ =	sdelay $0x1  }
0xe1: {  	v5 =	vld [tilespmem:s2+$0x60]  }
0xe2: {  	v6 =	vld [tilespmem:s2+$0x20D0];
	_ =	sdelay $0x2  }
0xe3: {  	v7 =	vshll.u32 v4, $0xC  }
0xe4: {  	v7 =	vand.u32 $0xFF000, v7  }
0xe5: {  	v6 =	vadd.s32 v6, v7;
	[tilespmem:s2+$0x95D0] =	vst v4  }
0xe6: {  	[tilespmem:s2+$0x71D0] =	vst v6  }
0xe7: {  	v6 =	vld.idx.msk [tilespmem:v5+s16+$0x0], $0xffff;
	_ =	sdelay $0x1  }
0xe8: {  	v4 =	vld [tilespmem:s2+$0x70]  }
0xe9: {  	v5 =	vld [tilespmem:s2+$0x20E0]  }
.Ltmp3:
0xea: {  	(pc) =	sbr.rel @p1 .LBB2_4-.Ltmp3, $4  }
0xeb: {  	_ = 	snop  }
0xec: {  	v7 =	vshll.u32 v6, $0xC  }
0xed: {  	v7 =	vand.u32 $0xFF000, v7  }
0xee: {  	s11 =	sadd.s32 $0x200, s11;
	v5 =	vadd.s32 v5, v7;
	[tilespmem:s2+$0x95E0] =	vst v6  }
0xef: {  	_ =	sdelay $0x2  }
0xf0: {  	[tilespmem:s2+$0x71E0] =	vst v5  }
0xf1: {  	s4 =	sshra.s32 s13, $0x2;
	v4 =	vld.idx.msk [tilespmem:v4+s16+$0x0], $0xffff  }
0xf2: {  	v5 =	vld [tilespmem:s4+$0x0]  }
0xf3: {  	v6 =	vld [tilespmem:s2+$0x20F0];
	_ =	sdelay $0x2  }
0xf4: {  	v7 =	vshll.u32 v4, $0xC  }
0xf5: {  	v7 =	vand.u32 $0xFF000, v7  }
0xf6: {  	[tilespmem:s2+$0x95F0] =	vst v4;
	v4 =	vadd.s32 v6, v7  }
0xf7: {  	[tilespmem:s2+$0x71F0] =	vst v4  }
0xf8: {  	v4 =	vld.idx.msk [tilespmem:v5+s16+$0x0], $0xffff  }
0xf9: {  	v5 =	vld [tilespmem:s4+$0x10]  }
0xfa: {  	v49 =	vld [tilespmem:s4+$0x2080];
	_ =	sdelay $0x2  }
0xfb: {  	v50 =	vshll.u32 v4, $0xC  }
0xfc: {  	v7 =	vand.u32 $0xFF000, v50  }
0xfd: {  	[tilespmem:s4+$0x9580] =	vst v4;
	v4 =	vadd.s32 v49, v7  }
0xfe: {  	[tilespmem:s4+$0x7180] =	vst v4  }
0xff: {  	v4 =	vld.idx.msk [tilespmem:v5+s16+$0x0], $0xffff  }
0x100: {  	v5 =	vld [tilespmem:s4+$0x20]  }
0x101: {  	v51 =	vld [tilespmem:s4+$0x2090];
	_ =	sdelay $0x2  }
0x102: {  	v52 =	vshll.u32 v4, $0xC  }
0x103: {  	v7 =	vand.u32 $0xFF000, v52  }
0x104: {  	[tilespmem:s4+$0x9590] =	vst v4;
	v4 =	vadd.s32 v51, v7  }
0x105: {  	[tilespmem:s4+$0x7190] =	vst v4  }
0x106: {  	v4 =	vld.idx.msk [tilespmem:v5+s16+$0x0], $0xffff  }
0x107: {  	v5 =	vld [tilespmem:s4+$0x30]  }
0x108: {  	v53 =	vld [tilespmem:s4+$0x20A0];
	_ =	sdelay $0x2  }
0x109: {  	v54 =	vshll.u32 v4, $0xC  }
0x10a: {  	v7 =	vand.u32 $0xFF000, v54  }
0x10b: {  	[tilespmem:s4+$0x95A0] =	vst v4;
	v6 =	vadd.s32 v53, v7  }
0x10c: {  	[tilespmem:s4+$0x71A0] =	vst v6  }
0x10d: {  	v4 =	vld.idx.msk [tilespmem:v5+s16+$0x0], $0xffff  }
0x10e: {  	v5 =	vld [tilespmem:s4+$0x40]  }
0x10f: {  	v55 =	vld [tilespmem:s4+$0x20B0];
	_ =	sdelay $0x2  }
0x110: {  	v56 =	vshll.u32 v4, $0xC  }
0x111: {  	v7 =	vand.u32 $0xFF000, v56  }
0x112: {  	[tilespmem:s4+$0x95B0] =	vst v4;
	v6 =	vadd.s32 v55, v7  }
0x113: {  	[tilespmem:s4+$0x71B0] =	vst v6  }
0x114: {  	v4 =	vld.idx.msk [tilespmem:v5+s16+$0x0], $0xffff  }
0x115: {  	v5 =	vld [tilespmem:s4+$0x50]  }
0x116: {  	v57 =	vld [tilespmem:s4+$0x20C0];
	_ =	sdelay $0x2  }
0x117: {  	v58 =	vshll.u32 v4, $0xC  }
0x118: {  	v7 =	vand.u32 $0xFF000, v58  }
0x119: {  	[tilespmem:s4+$0x95C0] =	vst v4;
	v6 =	vadd.s32 v57, v7  }
0x11a: {  	[tilespmem:s4+$0x71C0] =	vst v6  }
0x11b: {  	v4 =	vld.idx.msk [tilespmem:v5+s16+$0x0], $0xffff  }
0x11c: {  	v5 =	vld [tilespmem:s4+$0x60]  }
0x11d: {  	v59 =	vld [tilespmem:s4+$0x20D0];
	_ =	sdelay $0x2  }
0x11e: {  	v60 =	vshll.u32 v4, $0xC  }
0x11f: {  	v7 =	vand.u32 $0xFF000, v60  }
0x120: {  	[tilespmem:s4+$0x95D0] =	vst v4;
	v6 =	vadd.s32 v59, v7  }
0x121: {  	[tilespmem:s4+$0x71D0] =	vst v6  }
0x122: {  	v4 =	vld.idx.msk [tilespmem:v5+s16+$0x0], $0xffff  }
0x123: {  	v5 =	vld [tilespmem:s4+$0x70]  }
0x124: {  	v61 =	vld [tilespmem:s4+$0x20E0];
	_ =	sdelay $0x2  }
0x125: {  	v62 =	vshll.u32 v4, $0xC  }
0x126: {  	v7 =	vand.u32 $0xFF000, v62  }
0x127: {  	[tilespmem:s4+$0x95E0] =	vst v4;
	v6 =	vadd.s32 v61, v7  }
0x128: {  	[tilespmem:s4+$0x71E0] =	vst v6  }
0x129: {  	v4 =	vld.idx.msk [tilespmem:v5+s16+$0x0], $0xffff;
	_ =	sdelay $0x1  }
0x12a: {  	v5 =	vld [tilespmem:s4+$0x20F0];
	_ =	sdelay $0x1  }
.Ltmp4:
0x12b: {  	_ = 	snop;
	(pc) =	sbr.rel .LBB2_6-.Ltmp4, $4  }
0x12c: {  	v63 =	vshll.u32 v4, $0xC  }
0x12d: {  	v6 =	vand.u32 $0xFF000, v63  }
0x12e: {  	[tilespmem:s4+$0x95F0] =	vst v4;
	v4 =	vadd.s32 v5, v6  }
0x12f: {  	s2 =	rddreg [dreg:$0x13];
	[tilespmem:s4+$0x71F0] =	vst v4  }
.LBB2_19:
0x130: {  	_ =	swait.ge [sflag:s15], $0x200  }
0x131: {  	[sflag:s15] =	ssyncset.done $0x0  }
0x132: {  	[sflag:s15] =	ssyncadd.s32 $0xFFFFFE00  }
0x133: {  	_ =	swait.ge [sflag:s15], $0x200  }
0x134: {  	[sflag:s15] =	ssyncset.done $0x0  }
0x135: {  	[sflag:s15] =	ssyncadd.s32 $0xFFFFFE00  }
0x136: {  	_ =	swait.ge [sflag:s15], $0x200  }
0x137: {  	[sflag:s15] =	ssyncset.done $0x0  }
0x138: {  	[sflag:s15] =	ssyncadd.s32 $0xFFFFFE00  }
0x139: {  	_ =	swait.ge [sflag:s15], $0x200  }
0x13a: {  	[sflag:s15] =	ssyncset.done $0x0  }
0x13b: {  	[sflag:s15] =	ssyncadd.s32 $0xFFFFFE00  }
0x13c: {  	_ =	swait.ge [sflag:s15], $0x200  }
0x13d: {  	[sflag:s15] =	ssyncset.done $0x0  }
0x13e: {  	[sflag:s15] =	ssyncadd.s32 $0xFFFFFE00  }
0x13f: {  	_ =	swait.ge [sflag:s15], $0x200  }
0x140: {  	[sflag:s15] =	ssyncset.done $0x0  }
0x141: {  	[sflag:s15] =	ssyncadd.s32 $0xFFFFFE00  }
0x142: {  	_ =	swait.ge [sflag:s15], $0x200  }
0x143: {  	[sflag:s15] =	ssyncset.done $0x0  }
0x144: {  	[sflag:s15] =	ssyncadd.s32 $0xFFFFFE00  }
0x145: {  	_ =	swait.ge [sflag:s15], $0x200  }
0x146: {  	[sflag:s15] =	ssyncset.done $0x0  }
0x147: {  	[sflag:s15] =	ssyncadd.s32 $0xFFFFFE00  }
0x148: {  	_ =	swait.ge [sflag:s15], $0x200  }
0x149: {  	[sflag:s15] =	ssyncset.done $0x0  }
0x14a: {  	[sflag:s15] =	ssyncadd.s32 $0xFFFFFE00  }
0x14b: {  	_ =	swait.ge [sflag:s15], $0x200  }
0x14c: {  	[sflag:s15] =	ssyncset.done $0x0  }
0x14d: {  	[sflag:s15] =	ssyncadd.s32 $0xFFFFFE00  }
0x14e: {  	_ =	swait.ge [sflag:s15], $0x200  }
0x14f: {  	[sflag:s15] =	ssyncset.done $0x0  }
0x150: {  	[sflag:s15] =	ssyncadd.s32 $0xFFFFFE00  }
0x151: {  	_ =	swait.ge [sflag:s15], $0x200  }
0x152: {  	[sflag:s15] =	ssyncset.done $0x0  }
0x153: {  	[sflag:s15] =	ssyncadd.s32 $0xFFFFFE00  }
0x154: {  	_ =	swait.ge [sflag:s15], $0x200  }
0x155: {  	[sflag:s15] =	ssyncset.done $0x0  }
0x156: {  	[sflag:s15] =	ssyncadd.s32 $0xFFFFFE00  }
0x157: {  	_ =	swait.ge [sflag:s15], $0x200  }
0x158: {  	[sflag:s15] =	ssyncset.done $0x0  }
0x159: {  	s14 =	sadd.s32 $0x1, s14;
	[sflag:s15] =	ssyncadd.s32 $0xFFFFFE00  }
0x15a: {  	p1 =	sne.s32 s14, $0x8;
	_ =	swait.ge [sflag:s15], $0x200  }
.Ltmp5:
0x15b: {  	[sflag:s15] =	ssyncset.done $0x0;
	(pc) =	sbr.rel @!p1 .LBB2_20-.Ltmp5, $4  }
0x15c: {  	[sflag:s15] =	ssyncadd.s32 $0xFFFFFE00  }
0x15d: {  	_ =	swait.ge [sflag:s15], $0x200  }
0x15e: {  	[sflag:s15] =	ssyncset.done $0x0  }
0x15f: {  	s2 =	sadd.s32 $0x20000, s2;
	[sflag:s15] =	ssyncadd.s32 $0xFFFFFE00  }
.LBB2_6:
0x160: {  	[spmem:s12] =	stream.linear.scatter [tilespmem:s8], [sflag:$0x1], $0x1000, $0x38;
	[tilespmem:$0x1FE00] =	vst v63  }
0x161: {  	_ = 	snop  }
0x162: {  	[spmem:s17] =	stream.linear.scatter [tilespmem:s8], [sflag:$0x1], $0x1000, $0x38;
	[tilespmem:$0x1FE00] =	vst v63  }
0x163: {  	s1 =	rddreg [dreg:$0x10]  }
0x164: {  	[spmem:s1] =	stream.linear.scatter [tilespmem:s8], [sflag:$0x1], $0x1000, $0x38;
	[tilespmem:$0x1FE00] =	vst v63  }
0x165: {  	s18 =	rddreg [dreg:$0x11]  }
0x166: {  	[spmem:s18] =	stream.linear.scatter [tilespmem:s8], [sflag:$0x1], $0x1000, $0x38;
	[tilespmem:$0x1FE00] =	vst v63  }
0x167: {  	_ = 	snop  }
0x168: {  	[spmem:s20] =	stream.linear.scatter [tilespmem:s8], [sflag:$0x1], $0x1000, $0x38;
	[tilespmem:$0x1FE00] =	vst v63  }
0x169: {  	_ = 	snop  }
0x16a: {  	[spmem:s22] =	stream.linear.scatter [tilespmem:s8], [sflag:$0x1], $0x1000, $0x38;
	[tilespmem:$0x1FE00] =	vst v63  }
0x16b: {  	_ = 	snop  }
0x16c: {  	[spmem:s23] =	stream.linear.scatter [tilespmem:s8], [sflag:$0x1], $0x1000, $0x38;
	[tilespmem:$0x1FE00] =	vst v63  }
0x16d: {  	_ = 	snop  }
0x16e: {  	[spmem:s24] =	stream.linear.scatter [tilespmem:s8], [sflag:$0x1], $0x1000, $0x38;
	[tilespmem:$0x1FE00] =	vst v63  }
0x16f: {  	_ = 	snop  }
0x170: {  	[spmem:s25] =	stream.linear.scatter [tilespmem:s8], [sflag:$0x1], $0x1000, $0x38;
	[tilespmem:$0x1FE00] =	vst v63  }
0x171: {  	_ = 	snop  }
0x172: {  	[spmem:s26] =	stream.linear.scatter [tilespmem:s8], [sflag:$0x1], $0x1000, $0x38;
	[tilespmem:$0x1FE00] =	vst v63  }
0x173: {  	_ = 	snop  }
0x174: {  	[spmem:s28] =	stream.linear.scatter [tilespmem:s8], [sflag:$0x1], $0x1000, $0x38;
	[tilespmem:$0x1FE00] =	vst v63  }
0x175: {  	_ = 	snop  }
0x176: {  	[spmem:s29] =	stream.linear.scatter [tilespmem:s8], [sflag:$0x1], $0x1000, $0x38;
	[tilespmem:$0x1FE00] =	vst v63  }
0x177: {  	_ = 	snop  }
0x178: {  	[spmem:s30] =	stream.linear.scatter [tilespmem:s8], [sflag:$0x1], $0x1000, $0x38;
	[tilespmem:$0x1FE00] =	vst v63  }
0x179: {  	_ = 	snop  }
0x17a: {  	[spmem:s31] =	stream.linear.scatter [tilespmem:s8], [sflag:$0x1], $0x1000, $0x38;
	[tilespmem:$0x1FE00] =	vst v63  }
0x17b: {  	_ = 	snop  }
0x17c: {  	[spmem:s0] =	stream.linear.scatter [tilespmem:s8], [sflag:$0x1], $0x1000, $0x38;
	[tilespmem:$0x1FE00] =	vst v63  }
0x17d: {  	_ = 	snop  }
0x17e: {  	[spmem:s5] =	stream.linear.scatter [tilespmem:s8], [sflag:$0x1], $0x1000, $0x38;
	[tilespmem:$0x1FE00] =	vst v63  }
0x17f: {  	_ =	swait.ge [sflag:s15], $0x1000  }
0x180: {  	[sflag:s15] =	ssyncset.done $0x0  }
0x181: {  	[sflag:s15] =	ssyncadd.s32 $0xFFFFF000  }
0x182: {  	_ =	swait.ge [sflag:s15], $0x1000  }
0x183: {  	[sflag:s15] =	ssyncset.done $0x0  }
0x184: {  	[sflag:s15] =	ssyncadd.s32 $0xFFFFF000  }
0x185: {  	_ =	swait.ge [sflag:s15], $0x1000  }
0x186: {  	[sflag:s15] =	ssyncset.done $0x0  }
0x187: {  	[sflag:s15] =	ssyncadd.s32 $0xFFFFF000  }
0x188: {  	_ =	swait.ge [sflag:s15], $0x1000  }
0x189: {  	[sflag:s15] =	ssyncset.done $0x0  }
0x18a: {  	[sflag:s15] =	ssyncadd.s32 $0xFFFFF000  }
0x18b: {  	_ =	swait.ge [sflag:s15], $0x1000  }
0x18c: {  	[sflag:s15] =	ssyncset.done $0x0  }
0x18d: {  	[sflag:s15] =	ssyncadd.s32 $0xFFFFF000  }
0x18e: {  	_ =	swait.ge [sflag:s15], $0x1000  }
0x18f: {  	[sflag:s15] =	ssyncset.done $0x0  }
0x190: {  	[sflag:s15] =	ssyncadd.s32 $0xFFFFF000  }
0x191: {  	_ =	swait.ge [sflag:s15], $0x1000  }
0x192: {  	[sflag:s15] =	ssyncset.done $0x0  }
0x193: {  	[sflag:s15] =	ssyncadd.s32 $0xFFFFF000  }
0x194: {  	_ =	swait.ge [sflag:s15], $0x1000  }
0x195: {  	[sflag:s15] =	ssyncset.done $0x0  }
0x196: {  	[sflag:s15] =	ssyncadd.s32 $0xFFFFF000  }
0x197: {  	_ =	swait.ge [sflag:s15], $0x1000  }
0x198: {  	[sflag:s15] =	ssyncset.done $0x0  }
0x199: {  	[sflag:s15] =	ssyncadd.s32 $0xFFFFF000  }
0x19a: {  	_ =	swait.ge [sflag:s15], $0x1000  }
0x19b: {  	[sflag:s15] =	ssyncset.done $0x0  }
0x19c: {  	[sflag:s15] =	ssyncadd.s32 $0xFFFFF000  }
0x19d: {  	_ =	swait.ge [sflag:s15], $0x1000  }
0x19e: {  	[sflag:s15] =	ssyncset.done $0x0  }
0x19f: {  	[sflag:s15] =	ssyncadd.s32 $0xFFFFF000  }
0x1a0: {  	_ =	swait.ge [sflag:s15], $0x1000  }
0x1a1: {  	[sflag:s15] =	ssyncset.done $0x0  }
0x1a2: {  	[sflag:s15] =	ssyncadd.s32 $0xFFFFF000  }
0x1a3: {  	_ =	swait.ge [sflag:s15], $0x1000  }
0x1a4: {  	[sflag:s15] =	ssyncset.done $0x0  }
0x1a5: {  	[sflag:s15] =	ssyncadd.s32 $0xFFFFF000  }
0x1a6: {  	_ =	swait.ge [sflag:s15], $0x1000  }
0x1a7: {  	[sflag:s15] =	ssyncset.done $0x0  }
0x1a8: {  	[sflag:s15] =	ssyncadd.s32 $0xFFFFF000  }
0x1a9: {  	_ =	swait.ge [sflag:s15], $0x1000  }
0x1aa: {  	[sflag:s15] =	ssyncset.done $0x0  }
0x1ab: {  	[sflag:s15] =	ssyncadd.s32 $0xFFFFF000  }
0x1ac: {  	_ =	swait.ge [sflag:s15], $0x1000  }
0x1ad: {  	[sflag:s15] =	ssyncset.done $0x0  }
0x1ae: {  	[sflag:s15] =	ssyncadd.s32 $0xFFFFF000  }
0x1af: {  	s11 =	simm.s32 $0x70;
	[bflag:$0x0] =	sbarrier.arrive $0xFFFF  }
0x1b0: {  	v6 =	vld [tilespmem:s11+$0x9580]  }
0x1b1: {  	v7 =	vld [tilespmem:s11+$0x9510]  }
0x1b2: {  	v11 =	vld [tilespmem:s11+$0x9540]  }
0x1b3: {  	v12 =	vld [tilespmem:s11+$0x9550]  }
0x1b4: {  	v13 =	vld [tilespmem:s11+$0x9560]  }
0x1b5: {  	s19 =	sshll.u32 s14, $0x8;
	v8 =	vld [tilespmem:s11+$0x4100]  }
0x1b6: {  	s4 =	sadd.s32 $0x100, s19;
	v9 =	vld [tilespmem:s11+$0x9520]  }
0x1b7: {  	v4 =	vmov s19;
	v5 =	vmov s4;
	v10 =	vld [tilespmem:s11+$0x9530]  }
0x1b8: {  	vm1 =	vge.s32 v6, v4;
	vm2 =	vlt.s32 v6, v5;
	vm4 =	vlt.s32 v11, v5  }
0x1b9: {  	v14 =	vld [tilespmem:s11+$0x9570];
	vm5 =	vlt.s32 v12, v5;
	vm7 =	vge.s32 v13, v4;
	vm1 =	vmand vm1, vm2  }
0x1ba: {  	v15 =	vld [tilespmem:s11+$0x4090];
	vm2 =	vlt.s32 v7, v5;
	v6 =	vnsel vm1, $0x0, v8;
	vm1 =	vge.s32 v7, v4  }
0x1bb: {  	v16 =	vld [tilespmem:s11+$0x40A0];
	vm3 =	vmand vm1, vm2;
	vm1 =	vge.s32 v9, v4;
	vm2 =	vlt.s32 v9, v5  }
0x1bc: {  	[tilespmem:s11+$0xB980] =	vst v6;
	v6 =	vld [tilespmem:s11+$0x40B0];
	vm6 =	vmand vm1, vm2;
	vm1 =	vge.s32 v10, v4;
	vm2 =	vlt.s32 v10, v5  }
0x1bd: {  	vm8 =	vlt.s32 v13, v5;
	v7 =	vld [tilespmem:s11+$0x40C0];
	vm1 =	vmand vm1, vm2;
	vm2 =	vge.s32 v11, v4  }
0x1be: {  	vm9 =	vlt.s32 v14, v5;
	v8 =	vld [tilespmem:s11+$0x40D0];
	vm2 =	vmand vm2, vm4;
	vm4 =	vge.s32 v12, v4  }
0x1bf: {  	v9 =	vld [tilespmem:s11+$0x40E0];
	v10 =	vnsel vm3, $0x0, v15;
	vm3 =	vmand vm4, vm5;
	vm5 =	vge.s32 v14, v4  }
0x1c0: {  	s13 =	simm.s32 $0xF0;
	s4 =	simm.s32 $0x5C0;
	[tilespmem:s11+$0xB910] =	vst v10;
	v11 =	vnsel vm6, $0x0, v16;
	v10 =	vld [tilespmem:s11+$0x40F0];
	vm4 =	vmand vm7, vm8;
	vm5 =	vmand vm5, vm9  }
.LBB2_7:
0x1c1: {  	p1 =	sne.s32 s4, $0x81C0;
	v12 =	vld [tilespmem:s13+$0x9580];
	[tilespmem:s11+$0xB920] =	vst v11;
	v6 =	vnsel vm1, $0x0, v6  }
0x1c2: {  	v11 =	vld [tilespmem:s13+$0x9510];
	[tilespmem:s11+$0xB930] =	vst v6;
	v6 =	vnsel vm2, $0x0, v7  }
0x1c3: {  	v7 =	vld [tilespmem:s13+$0x4100];
	[tilespmem:s11+$0xB940] =	vst v6;
	v6 =	vnsel vm3, $0x0, v8  }
0x1c4: {  	v8 =	vld [tilespmem:s13+$0x9520];
	[tilespmem:s11+$0xB950] =	vst v6;
	v6 =	vnsel vm4, $0x0, v9  }
0x1c5: {  	v9 =	vld [tilespmem:s13+$0x9530];
	[tilespmem:s11+$0xB960] =	vst v6;
	v6 =	vnsel vm5, $0x0, v10  }
0x1c6: {  	v10 =	vld [tilespmem:s13+$0x9540];
	vm1 =	vge.s32 v12, v4;
	vm2 =	vlt.s32 v12, v5;
	[tilespmem:s11+$0xB970] =	vst v6;
	s11 =	smov.u32 s13  }
0x1c7: {  	vm3 =	vge.s32 v11, v4;
	vm4 =	vlt.s32 v11, v5;
	v11 =	vld [tilespmem:s11+$0x9550];
	vm1 =	vmand vm1, vm2  }
0x1c8: {  	vm5 =	vmand vm3, vm4;
	v12 =	vld [tilespmem:s11+$0x9560];
	v6 =	vnsel vm1, $0x0, v7  }
0x1c9: {  	vm1 =	vge.s32 v8, v4;
	vm2 =	vlt.s32 v8, v5;
	v13 =	vld [tilespmem:s11+$0x9570];
	[tilespmem:s11+$0xB980] =	vst v6  }
0x1ca: {  	v14 =	vld [tilespmem:s11+$0x4090];
	vm6 =	vmand vm1, vm2;
	vm1 =	vge.s32 v9, v4;
	vm2 =	vlt.s32 v9, v5  }
0x1cb: {  	v15 =	vld [tilespmem:s11+$0x40A0];
	vm1 =	vmand vm1, vm2;
	vm2 =	vge.s32 v10, v4;
	vm3 =	vlt.s32 v10, v5  }
.Ltmp6:
0x1cc: {  	v6 =	vld [tilespmem:s11+$0x40B0];
	vm2 =	vmand vm2, vm3;
	vm3 =	vge.s32 v11, v4;
	vm4 =	vlt.s32 v11, v5;
	(pc) =	sbr.rel @p1 .LBB2_7-.Ltmp6, $4  }
0x1cd: {  	v7 =	vld [tilespmem:s11+$0x40C0];
	vm3 =	vmand vm3, vm4;
	vm4 =	vge.s32 v12, v4;
	vm7 =	vlt.s32 v12, v5  }
0x1ce: {  	v8 =	vld [tilespmem:s11+$0x40D0];
	vm4 =	vmand vm4, vm7;
	vm7 =	vge.s32 v13, v4;
	vm8 =	vlt.s32 v13, v5  }
0x1cf: {  	v10 =	vnsel vm5, $0x0, v14;
	v9 =	vld [tilespmem:s11+$0x40E0];
	vm5 =	vmand vm7, vm8  }
0x1d0: {  	s13 =	sshra.s32 s4, $0x2;
	s4 =	sadd.s32 $0x200, s4;
	[tilespmem:s11+$0xB910] =	vst v10;
	v11 =	vnsel vm6, $0x0, v15;
	v10 =	vld [tilespmem:s11+$0x40F0]  }
0x1d1: {  	v12 =	vld [tilespmem:s13+$0x9580];
	[tilespmem:s11+$0xB920] =	vst v11;
	v6 =	vnsel vm1, $0x0, v6  }
0x1d2: {  	v11 =	vld [tilespmem:s13+$0x9510];
	[tilespmem:s11+$0xB930] =	vst v6;
	v47 =	vnsel vm2, $0x0, v7  }
0x1d3: {  	v48 =	vld [tilespmem:s13+$0x4100];
	[tilespmem:s11+$0xB940] =	vst v47;
	v49 =	vnsel vm3, $0x0, v8  }
0x1d4: {  	v50 =	vld [tilespmem:s13+$0x9520];
	[tilespmem:s11+$0xB950] =	vst v49;
	v51 =	vnsel vm4, $0x0, v9  }
0x1d5: {  	v52 =	vld [tilespmem:s13+$0x9530];
	[tilespmem:s11+$0xB960] =	vst v51;
	v53 =	vnsel vm5, $0x0, v10  }
0x1d6: {  	v54 =	vld [tilespmem:s13+$0x9540];
	[tilespmem:s11+$0xB970] =	vst v53  }
0x1d7: {  	v6 =	vld [tilespmem:s13+$0x9550]  }
0x1d8: {  	v55 =	vld [tilespmem:s13+$0x9560]  }
0x1d9: {  	vm1 =	vge.s32 v12, v4;
	vm2 =	vlt.s32 v12, v5;
	v13 =	vld [tilespmem:s13+$0x9570]  }
0x1da: {  	vm1 =	vmand vm1, vm2;
	v56 =	vld [tilespmem:s13+$0x4090]  }
0x1db: {  	v15 =	vld [tilespmem:s13+$0x40B0];
	vm2 =	vlt.s32 v11, v5;
	v7 =	vnsel vm1, $0x0, v48  }
0x1dc: {  	v14 =	vld [tilespmem:s13+$0x40A0];
	vm1 =	vge.s32 v11, v4;
	vm3 =	vge.s32 v50, v4;
	vm11 =	vlt.s32 v50, v5  }
0x1dd: {  	v57 =	vld [tilespmem:s13+$0x40C0];
	vm1 =	vmand vm1, vm2;
	vm2 =	vge.s32 v52, v4;
	vm12 =	vlt.s32 v52, v5  }
0x1de: {  	v58 =	vld [tilespmem:s13+$0x40D0];
	vm6 =	vge.s32 v54, v4;
	vm7 =	vlt.s32 v54, v5;
	vm2 =	vmand vm2, vm12  }
0x1df: {  	v59 =	vld [tilespmem:s13+$0x40E0];
	[tilespmem:s13+$0xB980] =	vst v7;
	v7 =	vnsel vm1, $0x0, v56;
	vm1 =	vmand vm3, vm11;
	vm3 =	vge.s32 v6, v4  }
0x1e0: {  	v61 =	vld [tilespmem:s13+$0x40F0];
	vm13 =	vlt.s32 v6, v5;
	vm14 =	vge.s32 v55, v4;
	v62 =	vnsel vm2, $0x0, v15;
	[tilespmem:s13+$0xB910] =	vst v7  }
0x1e1: {  	vm6 =	vmand vm6, vm7;
	vm15 =	vlt.s32 v13, v5;
	v60 =	vnsel vm1, $0x0, v14;
	[tilespmem:s13+$0xB930] =	vst v62  }
0x1e2: {  	vm1 =	vlt.s32 v55, v5;
	vm2 =	vmand vm3, vm13;
	v63 =	vnsel vm6, $0x0, v57;
	[tilespmem:s13+$0xB920] =	vst v60  }
0x1e3: {  	vm3 =	vge.s32 v13, v4;
	vm1 =	vmand vm14, vm1;
	[tilespmem:s13+$0xB940] =	vst v63;
	v4 =	vnsel vm2, $0x0, v58  }
0x1e4: {  	vm2 =	vmand vm3, vm15;
	[tilespmem:s13+$0xB950] =	vst v4;
	v4 =	vnsel vm1, $0x0, v59  }
0x1e5: {  	[tilespmem:s13+$0xB960] =	vst v4;
	v4 =	vnsel vm2, $0x0, v61  }
0x1e6: {  	s1 =	simm.s32 $0x0;
	[tilespmem:s13+$0xB970] =	vst v4  }
.LBB2_9:
0x1e7: {  	p1 =	sne.s32 s1, $0x8000  }
.Ltmp7:
0x1e8: {  	_ = 	snop;
	(pc) =	sbr.rel @p1 .LBB2_9-.Ltmp7, $4  }
0x1e9: {  	_ = 	snop  }
0x1ea: {  	s4 =	sshra.s32 s1, $0x2  }
0x1eb: {  	s1 =	sadd.s32 $0x200, s1;
	s10 =	sadd.s32 $0xB980, s4;
	s4 =	sadd.s32 $0x7180, s4  }
0x1ec: {  	[spmem:s3] =	stream.indirect.scatter.add.f32 [tilespmem:s10], [sflag:$0x1], $0x1, s4, s21, $0xb8;
	[tilespmem:$0x1FE00] =	vst v63  }
0x1ed: {  	_ =	swait.ge [sflag:s15], $0x80  }
0x1ee: {  	s4 =	simm.s32 $0x40;
	[sflag:s15] =	ssyncset.done $0x0  }
.LBB2_11:
0x1ef: {  	p1 =	sne.s32 s4, $0x1;
	s4 =	sadd.s32 $0xFFFFFFFF, s4;
	[sflag:s15] =	ssyncadd.s32 $0xFFFFFF80  }
.Ltmp8:
0x1f0: {  	(pc) =	sbr.rel @p1 .LBB2_11-.Ltmp8, $3  }
0x1f1: {  	_ =	sdelay $0x1  }
0x1f2: {  	_ =	swait.ge [sflag:s15], $0x80  }
0x1f3: {  	[sflag:s15] =	ssyncset.done $0x0  }
.Ltmp9:
0x1f4: {  	(pc) =	sbr.rel @p0 .LBB2_16-.Ltmp9, $4  }
0x1f5: {  	_ = 	snop  }
0x1f6: {  	[sflag:s15] =	ssyncadd.s32 $0xFFFFFF80  }
0x1f7: {  	s1 =	simm.s32 $0x0;
	[bflag:$0x0] =	sbarrier.arrive $0xFFFF  }
0x1f8: {  	s4 =	simm.s32 $0x10;
	s11 =	sadd.s32 $0x200, s2;
	s1 =	sand.u32 $0x70, s1  }
0x1f9: {  	s13 =	sadd.s32 $0x1000, s12;
	s18 =	stileid.u32  }
0x1fa: {  	s10 =	sand.u32 $0xFF000, s2;
	s1 =	sadd.s32 s6, s1;
	s18 =	sshll.u32 s18, $0x6  }
0x1fb: {  	s1 =	sadd.s32 s10, s1;
	s10 =	sor.u32 $0x1C01, s18;
	s18 =	sshrl.u32 s12, $0x3  }
.LBB2_14:
0x1fc: {  	[hbm:s1@s21], [sflag:s10] =	dma.strided [spmem:s18@s9], $0x200, s15, $0x10   }
0x1fd: {  	s1 =	smov.u32 s4  }
0x1fe: {  	s18 =	smov.u32 s11;
	s19 =	smov.u32 s13;
	p1 =	seq.s32 s4, $0xF0  }
.Ltmp10:
0x1ff: {  	s4 =	sadd.s32 $0x10, s4;
	(pc) =	sbr.rel @!p1 .LBB2_14-.Ltmp10, $4  }
0x200: {  	_ = 	snop  }
0x201: {  	s11 =	sadd.s32 $0x200, s11;
	s13 =	sadd.s32 $0x1000, s13;
	s1 =	sand.u32 $0x70, s1  }
0x202: {  	s18 =	sand.u32 $0xFF000, s18;
	s1 =	sadd.s32 s6, s1  }
0x203: {  	s1 =	sadd.s32 s18, s1;
	s18 =	sshrl.u32 s19, $0x3  }
.Ltmp11:
0x204: {  	(pc) =	sbr.rel .LBB2_19-.Ltmp11, $2  }
0x205: {  	_ =	sdelay $0x2  }
0x206: {  	[hbm:s1@s21], [sflag:s10] =	dma.strided [spmem:s18@s9], $0x200, s15, $0x10   }
.LBB2_16:
0x207: {  	s10 =	sand.u32 $0xFF000, s2;
	s13 =	stileid.u32  }
0x208: {  	s1 =	sadd.s32 s7, s1;
	s18 =	sshrl.u32 s12, $0x3;
	s13 =	sshll.u32 s13, $0x6  }
0x209: {  	s1 =	sadd.s32 s10, s1;
	s10 =	smov.u32 s17;
	s13 =	sor.u32 $0x1C01, s13  }
.LBB2_17:
0x20a: {  	[hbm:s1@s21], [sflag:s13] =	dma.strided [spmem:s18@s9], $0x200, s15, $0x10   }
0x20b: {  	s1 =	smov.u32 s4  }
0x20c: {  	s18 =	smov.u32 s11;
	s19 =	smov.u32 s10;
	p1 =	sne.s32 s4, $0xF0  }
.Ltmp12:
0x20d: {  	s4 =	sadd.s32 $0x10, s4;
	(pc) =	sbr.rel @p1 .LBB2_17-.Ltmp12, $4  }
0x20e: {  	_ = 	snop  }
0x20f: {  	s11 =	sadd.s32 $0x200, s11;
	s10 =	sadd.s32 $0x1000, s10;
	s1 =	sand.u32 $0x70, s1  }
0x210: {  	s18 =	sand.u32 $0xFF000, s18;
	s1 =	sadd.s32 s7, s1  }
0x211: {  	s1 =	sadd.s32 s18, s1;
	s18 =	sshrl.u32 s19, $0x3  }
.Ltmp13:
0x212: {  	(pc) =	sbr.rel .LBB2_19-.Ltmp13, $2  }
0x213: {  	_ =	sdelay $0x2  }
0x214: {  	[hbm:s1@s21], [sflag:s13] =	dma.strided [spmem:s18@s9], $0x200, s15, $0x10   }
.LBB2_21:
0x215: {  	_ =	sfence.sel $0x180000  }
0x216: {  	[bflag:$0x0] =	sbarrier.arrive $0xFFFF  }
0x217: {  	_ =	strace $0x90000047  }
0x218: {  	s0 =	stileid.u32;
	[bflag:$0x2] =	sbarrier.arrive $0xFFFF  }
0x219: {  	p0 =	sne.s32 s0, $0x0;
	s0 =	rddreg [dreg:$0x6]  }
0x21a: {  	s0 =	sadd.s32 @!p0 $0x100000, s0  }
0x21b: {  	[sflag:s0] =	ssyncadd.tile.s32 @!p0 $0x1;
	_ =	shalt  }
.Lfunc_end2:
_tile_overlayer_lowered:
.L_overlay_start_2:
0x21c: {  	(tag) =	ssettag $0x2  }
0x21d: {  	s0 =	rddreg [dreg:$0x0];
	s2 =	stileid.u32  }
0x21e: {  	s1 =	rddreg [dreg:$0x1];
	p0 =	sne.s32 s2, $0x0  }
0x21f: {  	s3 =	rddreg [dreg:$0x2];
	[bflag:$0x3] =	sbarrier.arrive $0xFFFF;
	s2 =	simm.s32 @!p0 $0x1C02  }
0x220: {  	[timem:s3], [sflag:s2] =	dma.local @!p0 [hbm:s0], s1  }
0x221: {  	s0 =	simm.s32 @!p0 $0x2  }
0x222: {  	_ =	swait.ge @!p0 [sflag:s0], s1  }
0x223: {  	s1 =	ssub.s32 @!p0 $0x0, s1;
	[sflag:s0] =	ssyncset.done @!p0 $0x0  }
0x224: {  	[sflag:s0] =	ssyncadd.s32 @!p0 s1  }
0x225: {  	[bflag:$0x3] =	sbarrier.arrive $0xFFFF  }
0x226: {  	_ =	shalt  }

</sc_bundles>
